<compile_context>
chip_gen: v7x
topology: tpu7x:2x2x1
jax: 0.10.2.dev20260603
libtpu: 0.0.44.dev20260713+nightly
codegen_flags: <defaults>
</compile_context>

<pallas_src>
import functools
import math

import jax
import jax.numpy as jnp
from jax import lax
from jax.experimental import pallas as pl
from jax.experimental.pallas import tpu as pltpu
from jax.experimental.pallas import tpu_sc as plsc

D = 64
SCALE = math.sqrt(D)
NC = 2
NS = 16
NW = NC * NS
VOCAB = 1000000
CH = 128
NBUF = 3

_mesh = lambda: plsc.VectorSubcoreMesh(core_axis_name="c", subcore_axis_name="s")
_params = lambda: pltpu.CompilerParams(
    use_tc_tiling_on_sc=True, needs_layout_passes=False)


def _gather_kernel(B):
    per_w = B // NW
    n_ch = per_w // CH

    @functools.partial(
        pl.kernel,
        mesh=_mesh(),
        compiler_params=_params(),
        out_type=jax.ShapeDtypeStruct((B, 2 * D), jnp.float32),
        scratch_types=(
            [pltpu.VMEM((n_ch, CH), jnp.int32)]
            + [pltpu.VMEM((CH, 2 * D), jnp.float32)] * (NBUF + 2)
            + [pltpu.SemaphoreType.DMA] * (NBUF + 2)
        ),
    )
    def gk(xF, tabD, out2, *rest):
        idxv = rest[0]
        gs = rest[1:1 + NBUF]
        ss = rest[1 + NBUF:3 + NBUF]
        sg = rest[3 + NBUF:3 + 2 * NBUF]
        so = rest[3 + 2 * NBUF:5 + 2 * NBUF]
        wid = lax.axis_index("s") * NC + lax.axis_index("c")
        base = wid * per_w

        pltpu.sync_copy(xF.at[pl.ds(wid * n_ch, n_ch)], idxv)

        def start_gather(c, s):
            pltpu.async_copy(tabD.at[idxv.at[c]], gs[s], sg[s])

        def wait_gather(s):
            pltpu.make_async_copy(tabD.at[idxv.at[0]], gs[s], sg[s]).wait()

        def start_out(c, s):
            pltpu.async_copy(
                ss[s], out2.at[pl.ds(base + c * CH, CH)], so[s])

        def wait_out(s):
            pltpu.make_async_copy(
                ss[s], out2.at[pl.ds(base, CH)], so[s]).wait()

        def scale(gsl, osl):
            g = gs[gsl]
            o = ss[osl]

            @plsc.parallel_loop(0, CH, unroll=4)
            def _(p):
                for cb in range(D // 16):
                    sl = pl.ds(cb * 16, 16)
                    o[p, sl] = g[p, sl] * SCALE

        for k in range(NBUF):
            start_gather(k, k)

        def body(t, carry):
            gslot = lax.rem(t, NBUF)
            oslot = lax.rem(t, 2)

            def stage(gsl, osl):
                wait_gather(gsl)

                @pl.when(t >= 2)
                def _():
                    wait_out(osl)
                scale(gsl, osl)
                start_out(t, osl)

                @pl.when(t + NBUF < n_ch)
                def _():
                    start_gather(t + NBUF, gsl)

            for gsl in range(NBUF):
                @pl.when(gslot == gsl)
                def _(gsl=gsl):
                    for osl in range(2):
                        @pl.when(oslot == osl)
                        def _(osl=osl):
                            stage(gsl, osl)
            return carry

        lax.fori_loop(0, n_ch, body, 0)
        wait_out(0)
        wait_out(1)

    return gk


def kernel(x, table):
    S0, S1 = x.shape
    B = S0 * S1
    xF = x.reshape(B // CH, CH).astype(jnp.int32)
    tabD = jnp.pad(table, ((0, 0), (0, D)))
    out2 = _gather_kernel(B)(xF, tabD)
    return out2[:, :D].reshape(S0, S1, D)

# --- scband reference (transcript-rebuilt; emitter-appended) ---
"""Pipeline reference for scband-embeddings-2224793059447 (READ-ONLY COPY).

The authoritative reference and input builder live on the scoring server;
editing this copy changes nothing except your own understanding.
"""

import jax, jax.numpy as jnp
import numpy as np
import math

D_MODEL = 64
VOCAB = 1000000

def setup_inputs(seed: int = 0) -> dict:
    key = jax.random.key(seed)
    k1, k2 = jax.random.split(key)
    x = jax.random.randint(k1, (4096, 200), 0, VOCAB, dtype=jnp.int64 if jax.config.jax_enable_x64 else jnp.int32)
    table = jax.random.normal(k2, (VOCAB, D_MODEL), dtype=jnp.float32)
    return {"x": x, "table": table}

def reference(x, table):
    # Embeddings.forward: self.lut(x) * math.sqrt(self.d_model)
    emb = jnp.take(table, x, axis=0)
    return emb * math.sqrt(D_MODEL)

if __name__ == "__main__":
    import jax
    _d = setup_inputs()
    print(jax.jit(kernel)(*tuple(_d.values())))

</pallas_src>

<mosaic_0001>
#map = affine_map<(d0, d1) -> (0, 0)>
module attributes {stable_mosaic.version = 14 : i64} {
  func.func @gk(%arg0: i32, %arg1: i32, %arg2: memref<6400x128xi32, #tpu.memory_space<hbm>>, %arg3: memref<1000000x128xf32, #tpu.memory_space<hbm>>, %arg4: memref<819200x128xf32, #tpu.memory_space<hbm>>, %arg5: memref<200x128xi32, #tpu.memory_space<vmem>>, %arg6: memref<128x128xf32, #tpu.memory_space<vmem>>, %arg7: memref<128x128xf32, #tpu.memory_space<vmem>>, %arg8: memref<128x128xf32, #tpu.memory_space<vmem>>, %arg9: memref<128x128xf32, #tpu.memory_space<vmem>>, %arg10: memref<128x128xf32, #tpu.memory_space<vmem>>, %arg11: memref<!tpu.dma_semaphore, #tpu.memory_space<semaphore_mem>>, %arg12: memref<!tpu.dma_semaphore, #tpu.memory_space<semaphore_mem>>, %arg13: memref<!tpu.dma_semaphore, #tpu.memory_space<semaphore_mem>>, %arg14: memref<!tpu.dma_semaphore, #tpu.memory_space<semaphore_mem>>, %arg15: memref<!tpu.dma_semaphore, #tpu.memory_space<semaphore_mem>>) attributes {dimension_semantics = [#tpu.dimension_semantics<core_parallel>, #tpu.dimension_semantics<subcore_parallel>], iteration_bounds = array<i64: 2, 16>, scalar_prefetch = 0 : i64, scratch_operands = 11 : i64, tpu.core_type = #tpu.core_type<sc_vector_subcore>, window_params = [{transform_indices = #map}, {transform_indices = #map}, {transform_indices = #map}]} {
    %mul3A = arith.constant 2 : i32
    %mul3A_0 = arith.muli %arg1, %mul3A : i32
    %add3A = arith.addi %mul3A_0, %arg0 : i32
    %mul3A_1 = arith.constant 25600 : i32
    %mul3A_2 = arith.muli %add3A, %mul3A_1 : i32
    %mul3A_3 = arith.constant 200 : i32
    %mul3A_4 = arith.muli %add3A, %mul3A_3 : i32
    "tpu.region"() ({
      %run_scoped3A = tpu.sem_alloc : memref<!tpu.dma_semaphore, #tpu.memory_space<semaphore_mem>>
      %dma_start3A_37 = arith.constant 0 : i32
      %dma_start3A_38 = tpu.memref_slice %arg2[%mul3A_4, %dma_start3A_37] : memref<6400x128xi32, #tpu.memory_space<hbm>> -> memref<200x128xi32, #tpu.memory_space<hbm>>
      %dma_start3A_39 = arith.constant 0 : i32
      %dma_start3A_40 = tpu.memref_slice %arg2[%mul3A_4, %dma_start3A_39] : memref<6400x128xi32, #tpu.memory_space<hbm>> -> memref<200x128xi32, #tpu.memory_space<hbm>>
      tpu.enqueue_dma source(%dma_start3A_40 : memref<200x128xi32, #tpu.memory_space<hbm>>) target(%arg5 : memref<200x128xi32, #tpu.memory_space<vmem>>) target_semaphore(%run_scoped3A : memref<!tpu.dma_semaphore, #tpu.memory_space<semaphore_mem>>)
      %dma_wait3A_41 = arith.constant 0 : i32
      %dma_wait3A_42 = tpu.memref_slice %arg2[%mul3A_4, %dma_wait3A_41] : memref<6400x128xi32, #tpu.memory_space<hbm>> -> memref<200x128xi32, #tpu.memory_space<hbm>>
      %dma_wait3A_43 = arith.constant 0 : i32
      %dma_wait3A_44 = tpu.memref_slice %arg2[%mul3A_4, %dma_wait3A_43] : memref<6400x128xi32, #tpu.memory_space<hbm>> -> memref<200x128xi32, #tpu.memory_space<hbm>>
      tpu.wait_dma2 semaphore(%run_scoped3A : memref<!tpu.dma_semaphore, #tpu.memory_space<semaphore_mem>>) src(%dma_wait3A_44 : memref<200x128xi32, #tpu.memory_space<hbm>>) dst(%arg5 : memref<200x128xi32, #tpu.memory_space<vmem>>)
      tpu.yield
    }) : () -> ()
    %dma_start3A = arith.constant 0 : i32
    %dma_start3A_5 = arith.constant 0 : i32
    %dma_start3A_6 = tpu.memref_slice %arg5[%dma_start3A, %dma_start3A_5] : memref<200x128xi32, #tpu.memory_space<vmem>> -> memref<1x128xi32, #tpu.memory_space<vmem>>
    %dma_start3A_7 = tpu.memref_squeeze %dma_start3A_6 : memref<1x128xi32, #tpu.memory_space<vmem>> -> memref<128xi32, #tpu.memory_space<vmem>>
    %dma_start3A_8 = arith.constant 0 : i32
    %dma_start3A_9 = arith.constant 0 : i32
    %dma_start3A_10 = tpu.memref_slice %arg3[%dma_start3A_8, %dma_start3A_9] : memref<1000000x128xf32, #tpu.memory_space<hbm>> -> memref<1000000x128xf32, #tpu.memory_space<hbm>>
    tpu.enqueue_indirect_dma source(%dma_start3A_10 : memref<1000000x128xf32, #tpu.memory_space<hbm>>) target(%arg6 : memref<128x128xf32, #tpu.memory_space<vmem>>) offsets(%dma_start3A_7 : memref<128xi32, #tpu.memory_space<vmem>>) semaphore(%arg11 : memref<!tpu.dma_semaphore, #tpu.memory_space<semaphore_mem>>)
    %dma_start3A_11 = arith.constant 1 : i32
    %dma_start3A_12 = arith.constant 0 : i32
    %dma_start3A_13 = tpu.memref_slice %arg5[%dma_start3A_11, %dma_start3A_12] : memref<200x128xi32, #tpu.memory_space<vmem>> -> memref<1x128xi32, #tpu.memory_space<vmem>>
    %dma_start3A_14 = tpu.memref_squeeze %dma_start3A_13 : memref<1x128xi32, #tpu.memory_space<vmem>> -> memref<128xi32, #tpu.memory_space<vmem>>
    %dma_start3A_15 = arith.constant 0 : i32
    %dma_start3A_16 = arith.constant 0 : i32
    %dma_start3A_17 = tpu.memref_slice %arg3[%dma_start3A_15, %dma_start3A_16] : memref<1000000x128xf32, #tpu.memory_space<hbm>> -> memref<1000000x128xf32, #tpu.memory_space<hbm>>
    tpu.enqueue_indirect_dma source(%dma_start3A_17 : memref<1000000x128xf32, #tpu.memory_space<hbm>>) target(%arg7 : memref<128x128xf32, #tpu.memory_space<vmem>>) offsets(%dma_start3A_14 : memref<128xi32, #tpu.memory_space<vmem>>) semaphore(%arg12 : memref<!tpu.dma_semaphore, #tpu.memory_space<semaphore_mem>>)
    %dma_start3A_18 = arith.constant 2 : i32
    %dma_start3A_19 = arith.constant 0 : i32
    %dma_start3A_20 = tpu.memref_slice %arg5[%dma_start3A_18, %dma_start3A_19] : memref<200x128xi32, #tpu.memory_space<vmem>> -> memref<1x128xi32, #tpu.memory_space<vmem>>
    %dma_start3A_21 = tpu.memref_squeeze %dma_start3A_20 : memref<1x128xi32, #tpu.memory_space<vmem>> -> memref<128xi32, #tpu.memory_space<vmem>>
    %dma_start3A_22 = arith.constant 0 : i32
    %dma_start3A_23 = arith.constant 0 : i32
    %dma_start3A_24 = tpu.memref_slice %arg3[%dma_start3A_22, %dma_start3A_23] : memref<1000000x128xf32, #tpu.memory_space<hbm>> -> memref<1000000x128xf32, #tpu.memory_space<hbm>>
    tpu.enqueue_indirect_dma source(%dma_start3A_24 : memref<1000000x128xf32, #tpu.memory_space<hbm>>) target(%arg8 : memref<128x128xf32, #tpu.memory_space<vmem>>) offsets(%dma_start3A_21 : memref<128xi32, #tpu.memory_space<vmem>>) semaphore(%arg13 : memref<!tpu.dma_semaphore, #tpu.memory_space<semaphore_mem>>)
    %scan3A = arith.constant 0 : i32
    %scan3A_25 = arith.constant 0 : i32
    %scan3A_26 = arith.constant 200 : i32
    %scan3A_27 = arith.addi %scan3A_25, %scan3A_26 : i32
    %scan3A_28 = arith.constant 1 : i32
    scf.for %scan3A_37 = %scan3A_25 to %scan3A_27 step %scan3A_28  : i32 {
      %rem3A = arith.constant 3 : i32
      %rem3A_38 = arith.remsi %scan3A_37, %rem3A : i32
      %rem3A_39 = arith.constant 2 : i32
      %rem3A_40 = arith.remsi %scan3A_37, %rem3A_39 : i32
      %eq3A = arith.constant 0 : i32
      %eq3A_41 = arith.cmpi eq, %rem3A_38, %eq3A : i32
      %convert_element_type3A = arith.extui %eq3A_41 : i1 to i32
      %cond3A = arith.constant 0 : i32
      %cond3A_42 = arith.cmpi ne, %convert_element_type3A, %cond3A : i32
      scf.if %cond3A_42 {
        %eq3A_53 = arith.constant 0 : i32
        %eq3A_54 = arith.cmpi eq, %rem3A_40, %eq3A_53 : i32
        %convert_element_type3A_55 = arith.extui %eq3A_54 : i1 to i32
        %cond3A_56 = arith.constant 0 : i32
        %cond3A_57 = arith.cmpi ne, %convert_element_type3A_55, %cond3A_56 : i32
        scf.if %cond3A_57 {
          %dma_wait3A_63 = arith.constant 0 : i32
          %dma_wait3A_64 = arith.constant 0 : i32
          %dma_wait3A_65 = tpu.memref_slice %arg5[%dma_wait3A_63, %dma_wait3A_64] : memref<200x128xi32, #tpu.memory_space<vmem>> -> memref<1x128xi32, #tpu.memory_space<vmem>>
          %dma_wait3A_66 = tpu.memref_squeeze %dma_wait3A_65 : memref<1x128xi32, #tpu.memory_space<vmem>> -> memref<128xi32, #tpu.memory_space<vmem>>
          %dma_wait3A_67 = arith.constant 0 : i32
          %dma_wait3A_68 = arith.constant 0 : i32
          %dma_wait3A_69 = tpu.memref_slice %arg3[%dma_wait3A_67, %dma_wait3A_68] : memref<1000000x128xf32, #tpu.memory_space<hbm>> -> memref<1000000x128xf32, #tpu.memory_space<hbm>>
          tpu.wait_indirect_dma semaphore(%arg11 : memref<!tpu.dma_semaphore, #tpu.memory_space<semaphore_mem>>) src(%dma_wait3A_69 : memref<1000000x128xf32, #tpu.memory_space<hbm>>) dst(%arg6 : memref<128x128xf32, #tpu.memory_space<vmem>>)
          %ge3A = arith.constant 2 : i32
          %ge3A_70 = arith.cmpi sge, %scan3A_37, %ge3A : i32
          %convert_element_type3A_71 = arith.extui %ge3A_70 : i1 to i32
          %cond3A_72 = arith.constant 0 : i32
          %cond3A_73 = arith.cmpi ne, %convert_element_type3A_71, %cond3A_72 : i32
          scf.if %cond3A_73 {
            %dma_wait3A_89 = arith.constant 0 : i32
            %dma_wait3A_90 = tpu.memref_slice %arg4[%mul3A_2, %dma_wait3A_89] : memref<819200x128xf32, #tpu.memory_space<hbm>> -> memref<128x128xf32, #tpu.memory_space<hbm>>
            %dma_wait3A_91 = arith.constant 0 : i32
            %dma_wait3A_92 = tpu.memref_slice %arg4[%mul3A_2, %dma_wait3A_91] : memref<819200x128xf32, #tpu.memory_space<hbm>> -> memref<128x128xf32, #tpu.memory_space<hbm>>
            tpu.wait_dma2 semaphore(%arg14 : memref<!tpu.dma_semaphore, #tpu.memory_space<semaphore_mem>>) src(%arg9 : memref<128x128xf32, #tpu.memory_space<vmem>>) dst(%dma_wait3A_92 : memref<128x128xf32, #tpu.memory_space<hbm>>)
          } else {
          }
          %parallel_loop3A = arith.constant 0 : i32
          %parallel_loop3A_74 = arith.constant 128 : i32
          %parallel_loop3A_75 = arith.constant 1 : i32
          scf.for %parallel_loop3A_89 = %parallel_loop3A to %parallel_loop3A_74 step %parallel_loop3A_75  : i32 {
            %parallel_loop3A_90 = arith.index_cast %parallel_loop3A_89 : i32 to index
            %parallel_loop3A_91 = arith.constant 0 : index
            %parallel_loop3A_92 = tpu.vector_load %arg6[%parallel_loop3A_90, %parallel_loop3A_91] {strides = array<i32>} : memref<128x128xf32, #tpu.memory_space<vmem>>, vector<16xf32>,
            %parallel_loop3A_93 = arith.constant 8.000000e+00 : f32
            %parallel_loop3A_94 = vector.broadcast %parallel_loop3A_93 : f32 to vector<16xf32>
            %parallel_loop3A_95 = arith.mulf %parallel_loop3A_92, %parallel_loop3A_94 : vector<16xf32>
            %parallel_loop3A_96 = arith.index_cast %parallel_loop3A_89 : i32 to index
            %parallel_loop3A_97 = arith.constant 0 : index
            %parallel_loop3A_98 = tpu.vector_load %arg9[%parallel_loop3A_96, %parallel_loop3A_97] {strides = array<i32>} : memref<128x128xf32, #tpu.memory_space<vmem>>, vector<16xf32>,
            tpu.vector_store %arg9[%parallel_loop3A_96, %parallel_loop3A_97], %parallel_loop3A_95 {strides = array<i32>} : memref<128x128xf32, #tpu.memory_space<vmem>>, vector<16xf32>,
            %parallel_loop3A_99 = arith.index_cast %parallel_loop3A_89 : i32 to index
            %parallel_loop3A_100 = arith.constant 16 : index
            %parallel_loop3A_101 = tpu.vector_load %arg6[%parallel_loop3A_99, %parallel_loop3A_100] {strides = array<i32>} : memref<128x128xf32, #tpu.memory_space<vmem>>, vector<16xf32>,
            %parallel_loop3A_102 = arith.constant 8.000000e+00 : f32
            %parallel_loop3A_103 = vector.broadcast %parallel_loop3A_102 : f32 to vector<16xf32>
            %parallel_loop3A_104 = arith.mulf %parallel_loop3A_101, %parallel_loop3A_103 : vector<16xf32>
            %parallel_loop3A_105 = arith.index_cast %parallel_loop3A_89 : i32 to index
            %parallel_loop3A_106 = arith.constant 16 : index
            %parallel_loop3A_107 = tpu.vector_load %arg9[%parallel_loop3A_105, %parallel_loop3A_106] {strides = array<i32>} : memref<128x128xf32, #tpu.memory_space<vmem>>, vector<16xf32>,
            tpu.vector_store %arg9[%parallel_loop3A_105, %parallel_loop3A_106], %parallel_loop3A_104 {strides = array<i32>} : memref<128x128xf32, #tpu.memory_space<vmem>>, vector<16xf32>,
            %parallel_loop3A_108 = arith.index_cast %parallel_loop3A_89 : i32 to index
            %parallel_loop3A_109 = arith.constant 32 : index
            %parallel_loop3A_110 = tpu.vector_load %arg6[%parallel_loop3A_108, %parallel_loop3A_109] {strides = array<i32>} : memref<128x128xf32, #tpu.memory_space<vmem>>, vector<16xf32>,
            %parallel_loop3A_111 = arith.constant 8.000000e+00 : f32
            %parallel_loop3A_112 = vector.broadcast %parallel_loop3A_111 : f32 to vector<16xf32>
            %parallel_loop3A_113 = arith.mulf %parallel_loop3A_110, %parallel_loop3A_112 : vector<16xf32>
            %parallel_loop3A_114 = arith.index_cast %parallel_loop3A_89 : i32 to index
            %parallel_loop3A_115 = arith.constant 32 : index
            %parallel_loop3A_116 = tpu.vector_load %arg9[%parallel_loop3A_114, %parallel_loop3A_115] {strides = array<i32>} : memref<128x128xf32, #tpu.memory_space<vmem>>, vector<16xf32>,
            tpu.vector_store %arg9[%parallel_loop3A_114, %parallel_loop3A_115], %parallel_loop3A_113 {strides = array<i32>} : memref<128x128xf32, #tpu.memory_space<vmem>>, vector<16xf32>,
            %parallel_loop3A_117 = arith.index_cast %parallel_loop3A_89 : i32 to index
            %parallel_loop3A_118 = arith.constant 48 : index
            %parallel_loop3A_119 = tpu.vector_load %arg6[%parallel_loop3A_117, %parallel_loop3A_118] {strides = array<i32>} : memref<128x128xf32, #tpu.memory_space<vmem>>, vector<16xf32>,
            %parallel_loop3A_120 = arith.constant 8.000000e+00 : f32
            %parallel_loop3A_121 = vector.broadcast %parallel_loop3A_120 : f32 to vector<16xf32>
            %parallel_loop3A_122 = arith.mulf %parallel_loop3A_119, %parallel_loop3A_121 : vector<16xf32>
            %parallel_loop3A_123 = arith.index_cast %parallel_loop3A_89 : i32 to index
            %parallel_loop3A_124 = arith.constant 48 : index
            %parallel_loop3A_125 = tpu.vector_load %arg9[%parallel_loop3A_123, %parallel_loop3A_124] {strides = array<i32>} : memref<128x128xf32, #tpu.memory_space<vmem>>, vector<16xf32>,
            tpu.vector_store %arg9[%parallel_loop3A_123, %parallel_loop3A_124], %parallel_loop3A_122 {strides = array<i32>} : memref<128x128xf32, #tpu.memory_space<vmem>>, vector<16xf32>,
          } {sc.loop_unroll_factor = 4 : i64, sc.parallel_access}
          %mul3A_76 = arith.constant 128 : i32
          %mul3A_77 = arith.muli %scan3A_37, %mul3A_76 : i32
          %add3A_78 = arith.addi %mul3A_2, %mul3A_77 : i32
          %dma_start3A_79 = arith.constant 0 : i32
          %dma_start3A_80 = tpu.memref_slice %arg4[%add3A_78, %dma_start3A_79] : memref<819200x128xf32, #tpu.memory_space<hbm>> -> memref<128x128xf32, #tpu.memory_space<hbm>>
          %dma_start3A_81 = arith.constant 0 : i32
          %dma_start3A_82 = tpu.memref_slice %arg4[%add3A_78, %dma_start3A_81] : memref<819200x128xf32, #tpu.memory_space<hbm>> -> memref<128x128xf32, #tpu.memory_space<hbm>>
          tpu.enqueue_dma source(%arg9 : memref<128x128xf32, #tpu.memory_space<vmem>>) target(%dma_start3A_82 : memref<128x128xf32, #tpu.memory_space<hbm>>) target_semaphore(%arg14 : memref<!tpu.dma_semaphore, #tpu.memory_space<semaphore_mem>>)
          %add3A_83 = arith.constant 3 : i32
          %add3A_84 = arith.addi %scan3A_37, %add3A_83 : i32
          %lt3A = arith.constant 200 : i32
          %lt3A_85 = arith.cmpi slt, %add3A_84, %lt3A : i32
          %convert_element_type3A_86 = arith.extui %lt3A_85 : i1 to i32
          %cond3A_87 = arith.constant 0 : i32
          %cond3A_88 = arith.cmpi ne, %convert_element_type3A_86, %cond3A_87 : i32
          scf.if %cond3A_88 {
            %add3A_89 = arith.constant 3 : i32
            %add3A_90 = arith.addi %scan3A_37, %add3A_89 : i32
            %dma_start3A_91 = arith.constant 0 : i32
            %dma_start3A_92 = tpu.memref_slice %arg5[%add3A_90, %dma_start3A_91] : memref<200x128xi32, #tpu.memory_space<vmem>> -> memref<1x128xi32, #tpu.memory_space<vmem>>
            %dma_start3A_93 = tpu.memref_squeeze %dma_start3A_92 : memref<1x128xi32, #tpu.memory_space<vmem>> -> memref<128xi32, #tpu.memory_space<vmem>>
            %dma_start3A_94 = arith.constant 0 : i32
            %dma_start3A_95 = arith.constant 0 : i32
            %dma_start3A_96 = tpu.memref_slice %arg3[%dma_start3A_94, %dma_start3A_95] : memref<1000000x128xf32, #tpu.memory_space<hbm>> -> memref<1000000x128xf32, #tpu.memory_space<hbm>>
            tpu.enqueue_indirect_dma source(%dma_start3A_96 : memref<1000000x128xf32, #tpu.memory_space<hbm>>) target(%arg6 : memref<128x128xf32, #tpu.memory_space<vmem>>) offsets(%dma_start3A_93 : memref<128xi32, #tpu.memory_space<vmem>>) semaphore(%arg11 : memref<!tpu.dma_semaphore, #tpu.memory_space<semaphore_mem>>)
          } else {
          }
        } else {
        }
        %eq3A_58 = arith.constant 1 : i32
        %eq3A_59 = arith.cmpi eq, %rem3A_40, %eq3A_58 : i32
        %convert_element_type3A_60 = arith.extui %eq3A_59 : i1 to i32
        %cond3A_61 = arith.constant 0 : i32
        %cond3A_62 = arith.cmpi ne, %convert_element_type3A_60, %cond3A_61 : i32
        scf.if %cond3A_62 {
          %dma_wait3A_63 = arith.constant 0 : i32
          %dma_wait3A_64 = arith.constant 0 : i32
          %dma_wait3A_65 = tpu.memref_slice %arg5[%dma_wait3A_63, %dma_wait3A_64] : memref<200x128xi32, #tpu.memory_space<vmem>> -> memref<1x128xi32, #tpu.memory_space<vmem>>
          %dma_wait3A_66 = tpu.memref_squeeze %dma_wait3A_65 : memref<1x128xi32, #tpu.memory_space<vmem>> -> memref<128xi32, #tpu.memory_space<vmem>>
          %dma_wait3A_67 = arith.constant 0 : i32
          %dma_wait3A_68 = arith.constant 0 : i32
          %dma_wait3A_69 = tpu.memref_slice %arg3[%dma_wait3A_67, %dma_wait3A_68] : memref<1000000x128xf32, #tpu.memory_space<hbm>> -> memref<1000000x128xf32, #tpu.memory_space<hbm>>
          tpu.wait_indirect_dma semaphore(%arg11 : memref<!tpu.dma_semaphore, #tpu.memory_space<semaphore_mem>>) src(%dma_wait3A_69 : memref<1000000x128xf32, #tpu.memory_space<hbm>>) dst(%arg6 : memref<128x128xf32, #tpu.memory_space<vmem>>)
          %ge3A = arith.constant 2 : i32
          %ge3A_70 = arith.cmpi sge, %scan3A_37, %ge3A : i32
          %convert_element_type3A_71 = arith.extui %ge3A_70 : i1 to i32
          %cond3A_72 = arith.constant 0 : i32
          %cond3A_73 = arith.cmpi ne, %convert_element_type3A_71, %cond3A_72 : i32
          scf.if %cond3A_73 {
            %dma_wait3A_89 = arith.constant 0 : i32
            %dma_wait3A_90 = tpu.memref_slice %arg4[%mul3A_2, %dma_wait3A_89] : memref<819200x128xf32, #tpu.memory_space<hbm>> -> memref<128x128xf32, #tpu.memory_space<hbm>>
            %dma_wait3A_91 = arith.constant 0 : i32
            %dma_wait3A_92 = tpu.memref_slice %arg4[%mul3A_2, %dma_wait3A_91] : memref<819200x128xf32, #tpu.memory_space<hbm>> -> memref<128x128xf32, #tpu.memory_space<hbm>>
            tpu.wait_dma2 semaphore(%arg15 : memref<!tpu.dma_semaphore, #tpu.memory_space<semaphore_mem>>) src(%arg10 : memref<128x128xf32, #tpu.memory_space<vmem>>) dst(%dma_wait3A_92 : memref<128x128xf32, #tpu.memory_space<hbm>>)
          } else {
          }
          %parallel_loop3A = arith.constant 0 : i32
          %parallel_loop3A_74 = arith.constant 128 : i32
          %parallel_loop3A_75 = arith.constant 1 : i32
          scf.for %parallel_loop3A_89 = %parallel_loop3A to %parallel_loop3A_74 step %parallel_loop3A_75  : i32 {
            %parallel_loop3A_90 = arith.index_cast %parallel_loop3A_89 : i32 to index
            %parallel_loop3A_91 = arith.constant 0 : index
            %parallel_loop3A_92 = tpu.vector_load %arg6[%parallel_loop3A_90, %parallel_loop3A_91] {strides = array<i32>} : memref<128x128xf32, #tpu.memory_space<vmem>>, vector<16xf32>,
            %parallel_loop3A_93 = arith.constant 8.000000e+00 : f32
            %parallel_loop3A_94 = vector.broadcast %parallel_loop3A_93 : f32 to vector<16xf32>
            %parallel_loop3A_95 = arith.mulf %parallel_loop3A_92, %parallel_loop3A_94 : vector<16xf32>
            %parallel_loop3A_96 = arith.index_cast %parallel_loop3A_89 : i32 to index
            %parallel_loop3A_97 = arith.constant 0 : index
            %parallel_loop3A_98 = tpu.vector_load %arg10[%parallel_loop3A_96, %parallel_loop3A_97] {strides = array<i32>} : memref<128x128xf32, #tpu.memory_space<vmem>>, vector<16xf32>,
            tpu.vector_store %arg10[%parallel_loop3A_96, %parallel_loop3A_97], %parallel_loop3A_95 {strides = array<i32>} : memref<128x128xf32, #tpu.memory_space<vmem>>, vector<16xf32>,
            %parallel_loop3A_99 = arith.index_cast %parallel_loop3A_89 : i32 to index
            %parallel_loop3A_100 = arith.constant 16 : index
            %parallel_loop3A_101 = tpu.vector_load %arg6[%parallel_loop3A_99, %parallel_loop3A_100] {strides = array<i32>} : memref<128x128xf32, #tpu.memory_space<vmem>>, vector<16xf32>,
            %parallel_loop3A_102 = arith.constant 8.000000e+00 : f32
            %parallel_loop3A_103 = vector.broadcast %parallel_loop3A_102 : f32 to vector<16xf32>
            %parallel_loop3A_104 = arith.mulf %parallel_loop3A_101, %parallel_loop3A_103 : vector<16xf32>
            %parallel_loop3A_105 = arith.index_cast %parallel_loop3A_89 : i32 to index
            %parallel_loop3A_106 = arith.constant 16 : index
            %parallel_loop3A_107 = tpu.vector_load %arg10[%parallel_loop3A_105, %parallel_loop3A_106] {strides = array<i32>} : memref<128x128xf32, #tpu.memory_space<vmem>>, vector<16xf32>,
            tpu.vector_store %arg10[%parallel_loop3A_105, %parallel_loop3A_106], %parallel_loop3A_104 {strides = array<i32>} : memref<128x128xf32, #tpu.memory_space<vmem>>, vector<16xf32>,
            %parallel_loop3A_108 = arith.index_cast %parallel_loop3A_89 : i32 to index
            %parallel_loop3A_109 = arith.constant 32 : index
            %parallel_loop3A_110 = tpu.vector_load %arg6[%parallel_loop3A_108, %parallel_loop3A_109] {strides = array<i32>} : memref<128x128xf32, #tpu.memory_space<vmem>>, vector<16xf32>,
            %parallel_loop3A_111 = arith.constant 8.000000e+00 : f32
            %parallel_loop3A_112 = vector.broadcast %parallel_loop3A_111 : f32 to vector<16xf32>
            %parallel_loop3A_113 = arith.mulf %parallel_loop3A_110, %parallel_loop3A_112 : vector<16xf32>
            %parallel_loop3A_114 = arith.index_cast %parallel_loop3A_89 : i32 to index
            %parallel_loop3A_115 = arith.constant 32 : index
            %parallel_loop3A_116 = tpu.vector_load %arg10[%parallel_loop3A_114, %parallel_loop3A_115] {strides = array<i32>} : memref<128x128xf32, #tpu.memory_space<vmem>>, vector<16xf32>,
            tpu.vector_store %arg10[%parallel_loop3A_114, %parallel_loop3A_115], %parallel_loop3A_113 {strides = array<i32>} : memref<128x128xf32, #tpu.memory_space<vmem>>, vector<16xf32>,
            %parallel_loop3A_117 = arith.index_cast %parallel_loop3A_89 : i32 to index
            %parallel_loop3A_118 = arith.constant 48 : index
            %parallel_loop3A_119 = tpu.vector_load %arg6[%parallel_loop3A_117, %parallel_loop3A_118] {strides = array<i32>} : memref<128x128xf32, #tpu.memory_space<vmem>>, vector<16xf32>,
            %parallel_loop3A_120 = arith.constant 8.000000e+00 : f32
            %parallel_loop3A_121 = vector.broadcast %parallel_loop3A_120 : f32 to vector<16xf32>
            %parallel_loop3A_122 = arith.mulf %parallel_loop3A_119, %parallel_loop3A_121 : vector<16xf32>
            %parallel_loop3A_123 = arith.index_cast %parallel_loop3A_89 : i32 to index
            %parallel_loop3A_124 = arith.constant 48 : index
            %parallel_loop3A_125 = tpu.vector_load %arg10[%parallel_loop3A_123, %parallel_loop3A_124] {strides = array<i32>} : memref<128x128xf32, #tpu.memory_space<vmem>>, vector<16xf32>,
            tpu.vector_store %arg10[%parallel_loop3A_123, %parallel_loop3A_124], %parallel_loop3A_122 {strides = array<i32>} : memref<128x128xf32, #tpu.memory_space<vmem>>, vector<16xf32>,
          } {sc.loop_unroll_factor = 4 : i64, sc.parallel_access}
          %mul3A_76 = arith.constant 128 : i32
          %mul3A_77 = arith.muli %scan3A_37, %mul3A_76 : i32
          %add3A_78 = arith.addi %mul3A_2, %mul3A_77 : i32
          %dma_start3A_79 = arith.constant 0 : i32
          %dma_start3A_80 = tpu.memref_slice %arg4[%add3A_78, %dma_start3A_79] : memref<819200x128xf32, #tpu.memory_space<hbm>> -> memref<128x128xf32, #tpu.memory_space<hbm>>
          %dma_start3A_81 = arith.constant 0 : i32
          %dma_start3A_82 = tpu.memref_slice %arg4[%add3A_78, %dma_start3A_81] : memref<819200x128xf32, #tpu.memory_space<hbm>> -> memref<128x128xf32, #tpu.memory_space<hbm>>
          tpu.enqueue_dma source(%arg10 : memref<128x128xf32, #tpu.memory_space<vmem>>) target(%dma_start3A_82 : memref<128x128xf32, #tpu.memory_space<hbm>>) target_semaphore(%arg15 : memref<!tpu.dma_semaphore, #tpu.memory_space<semaphore_mem>>)
          %add3A_83 = arith.constant 3 : i32
          %add3A_84 = arith.addi %scan3A_37, %add3A_83 : i32
          %lt3A = arith.constant 200 : i32
          %lt3A_85 = arith.cmpi slt, %add3A_84, %lt3A : i32
          %convert_element_type3A_86 = arith.extui %lt3A_85 : i1 to i32
          %cond3A_87 = arith.constant 0 : i32
          %cond3A_88 = arith.cmpi ne, %convert_element_type3A_86, %cond3A_87 : i32
          scf.if %cond3A_88 {
            %add3A_89 = arith.constant 3 : i32
            %add3A_90 = arith.addi %scan3A_37, %add3A_89 : i32
            %dma_start3A_91 = arith.constant 0 : i32
            %dma_start3A_92 = tpu.memref_slice %arg5[%add3A_90, %dma_start3A_91] : memref<200x128xi32, #tpu.memory_space<vmem>> -> memref<1x128xi32, #tpu.memory_space<vmem>>
            %dma_start3A_93 = tpu.memref_squeeze %dma_start3A_92 : memref<1x128xi32, #tpu.memory_space<vmem>> -> memref<128xi32, #tpu.memory_space<vmem>>
            %dma_start3A_94 = arith.constant 0 : i32
            %dma_start3A_95 = arith.constant 0 : i32
            %dma_start3A_96 = tpu.memref_slice %arg3[%dma_start3A_94, %dma_start3A_95] : memref<1000000x128xf32, #tpu.memory_space<hbm>> -> memref<1000000x128xf32, #tpu.memory_space<hbm>>
            tpu.enqueue_indirect_dma source(%dma_start3A_96 : memref<1000000x128xf32, #tpu.memory_space<hbm>>) target(%arg6 : memref<128x128xf32, #tpu.memory_space<vmem>>) offsets(%dma_start3A_93 : memref<128xi32, #tpu.memory_space<vmem>>) semaphore(%arg11 : memref<!tpu.dma_semaphore, #tpu.memory_space<semaphore_mem>>)
          } else {
          }
        } else {
        }
      } else {
      }
      %eq3A_43 = arith.constant 1 : i32
      %eq3A_44 = arith.cmpi eq, %rem3A_38, %eq3A_43 : i32
      %convert_element_type3A_45 = arith.extui %eq3A_44 : i1 to i32
      %cond3A_46 = arith.constant 0 : i32
      %cond3A_47 = arith.cmpi ne, %convert_element_type3A_45, %cond3A_46 : i32
      scf.if %cond3A_47 {
        %eq3A_53 = arith.constant 0 : i32
        %eq3A_54 = arith.cmpi eq, %rem3A_40, %eq3A_53 : i32
        %convert_element_type3A_55 = arith.extui %eq3A_54 : i1 to i32
        %cond3A_56 = arith.constant 0 : i32
        %cond3A_57 = arith.cmpi ne, %convert_element_type3A_55, %cond3A_56 : i32
        scf.if %cond3A_57 {
          %dma_wait3A_63 = arith.constant 0 : i32
          %dma_wait3A_64 = arith.constant 0 : i32
          %dma_wait3A_65 = tpu.memref_slice %arg5[%dma_wait3A_63, %dma_wait3A_64] : memref<200x128xi32, #tpu.memory_space<vmem>> -> memref<1x128xi32, #tpu.memory_space<vmem>>
          %dma_wait3A_66 = tpu.memref_squeeze %dma_wait3A_65 : memref<1x128xi32, #tpu.memory_space<vmem>> -> memref<128xi32, #tpu.memory_space<vmem>>
          %dma_wait3A_67 = arith.constant 0 : i32
          %dma_wait3A_68 = arith.constant 0 : i32
          %dma_wait3A_69 = tpu.memref_slice %arg3[%dma_wait3A_67, %dma_wait3A_68] : memref<1000000x128xf32, #tpu.memory_space<hbm>> -> memref<1000000x128xf32, #tpu.memory_space<hbm>>
          tpu.wait_indirect_dma semaphore(%arg12 : memref<!tpu.dma_semaphore, #tpu.memory_space<semaphore_mem>>) src(%dma_wait3A_69 : memref<1000000x128xf32, #tpu.memory_space<hbm>>) dst(%arg7 : memref<128x128xf32, #tpu.memory_space<vmem>>)
          %ge3A = arith.constant 2 : i32
          %ge3A_70 = arith.cmpi sge, %scan3A_37, %ge3A : i32
          %convert_element_type3A_71 = arith.extui %ge3A_70 : i1 to i32
          %cond3A_72 = arith.constant 0 : i32
          %cond3A_73 = arith.cmpi ne, %convert_element_type3A_71, %cond3A_72 : i32
          scf.if %cond3A_73 {
            %dma_wait3A_89 = arith.constant 0 : i32
            %dma_wait3A_90 = tpu.memref_slice %arg4[%mul3A_2, %dma_wait3A_89] : memref<819200x128xf32, #tpu.memory_space<hbm>> -> memref<128x128xf32, #tpu.memory_space<hbm>>
            %dma_wait3A_91 = arith.constant 0 : i32
            %dma_wait3A_92 = tpu.memref_slice %arg4[%mul3A_2, %dma_wait3A_91] : memref<819200x128xf32, #tpu.memory_space<hbm>> -> memref<128x128xf32, #tpu.memory_space<hbm>>
            tpu.wait_dma2 semaphore(%arg14 : memref<!tpu.dma_semaphore, #tpu.memory_space<semaphore_mem>>) src(%arg9 : memref<128x128xf32, #tpu.memory_space<vmem>>) dst(%dma_wait3A_92 : memref<128x128xf32, #tpu.memory_space<hbm>>)
          } else {
          }
          %parallel_loop3A = arith.constant 0 : i32
          %parallel_loop3A_74 = arith.constant 128 : i32
          %parallel_loop3A_75 = arith.constant 1 : i32
          scf.for %parallel_loop3A_89 = %parallel_loop3A to %parallel_loop3A_74 step %parallel_loop3A_75  : i32 {
            %parallel_loop3A_90 = arith.index_cast %parallel_loop3A_89 : i32 to index
            %parallel_loop3A_91 = arith.constant 0 : index
            %parallel_loop3A_92 = tpu.vector_load %arg7[%parallel_loop3A_90, %parallel_loop3A_91] {strides = array<i32>} : memref<128x128xf32, #tpu.memory_space<vmem>>, vector<16xf32>,
            %parallel_loop3A_93 = arith.constant 8.000000e+00 : f32
            %parallel_loop3A_94 = vector.broadcast %parallel_loop3A_93 : f32 to vector<16xf32>
            %parallel_loop3A_95 = arith.mulf %parallel_loop3A_92, %parallel_loop3A_94 : vector<16xf32>
            %parallel_loop3A_96 = arith.index_cast %parallel_loop3A_89 : i32 to index
            %parallel_loop3A_97 = arith.constant 0 : index
            %parallel_loop3A_98 = tpu.vector_load %arg9[%parallel_loop3A_96, %parallel_loop3A_97] {strides = array<i32>} : memref<128x128xf32, #tpu.memory_space<vmem>>, vector<16xf32>,
            tpu.vector_store %arg9[%parallel_loop3A_96, %parallel_loop3A_97], %parallel_loop3A_95 {strides = array<i32>} : memref<128x128xf32, #tpu.memory_space<vmem>>, vector<16xf32>,
            %parallel_loop3A_99 = arith.index_cast %parallel_loop3A_89 : i32 to index
            %parallel_loop3A_100 = arith.constant 16 : index
            %parallel_loop3A_101 = tpu.vector_load %arg7[%parallel_loop3A_99, %parallel_loop3A_100] {strides = array<i32>} : memref<128x128xf32, #tpu.memory_space<vmem>>, vector<16xf32>,
            %parallel_loop3A_102 = arith.constant 8.000000e+00 : f32
            %parallel_loop3A_103 = vector.broadcast %parallel_loop3A_102 : f32 to vector<16xf32>
            %parallel_loop3A_104 = arith.mulf %parallel_loop3A_101, %parallel_loop3A_103 : vector<16xf32>
            %parallel_loop3A_105 = arith.index_cast %parallel_loop3A_89 : i32 to index
            %parallel_loop3A_106 = arith.constant 16 : index
            %parallel_loop3A_107 = tpu.vector_load %arg9[%parallel_loop3A_105, %parallel_loop3A_106] {strides = array<i32>} : memref<128x128xf32, #tpu.memory_space<vmem>>, vector<16xf32>,
            tpu.vector_store %arg9[%parallel_loop3A_105, %parallel_loop3A_106], %parallel_loop3A_104 {strides = array<i32>} : memref<128x128xf32, #tpu.memory_space<vmem>>, vector<16xf32>,
            %parallel_loop3A_108 = arith.index_cast %parallel_loop3A_89 : i32 to index
            %parallel_loop3A_109 = arith.constant 32 : index
            %parallel_loop3A_110 = tpu.vector_load %arg7[%parallel_loop3A_108, %parallel_loop3A_109] {strides = array<i32>} : memref<128x128xf32, #tpu.memory_space<vmem>>, vector<16xf32>,
            %parallel_loop3A_111 = arith.constant 8.000000e+00 : f32
            %parallel_loop3A_112 = vector.broadcast %parallel_loop3A_111 : f32 to vector<16xf32>
            %parallel_loop3A_113 = arith.mulf %parallel_loop3A_110, %parallel_loop3A_112 : vector<16xf32>
            %parallel_loop3A_114 = arith.index_cast %parallel_loop3A_89 : i32 to index
            %parallel_loop3A_115 = arith.constant 32 : index
            %parallel_loop3A_116 = tpu.vector_load %arg9[%parallel_loop3A_114, %parallel_loop3A_115] {strides = array<i32>} : memref<128x128xf32, #tpu.memory_space<vmem>>, vector<16xf32>,
            tpu.vector_store %arg9[%parallel_loop3A_114, %parallel_loop3A_115], %parallel_loop3A_113 {strides = array<i32>} : memref<128x128xf32, #tpu.memory_space<vmem>>, vector<16xf32>,
            %parallel_loop3A_117 = arith.index_cast %parallel_loop3A_89 : i32 to index
            %parallel_loop3A_118 = arith.constant 48 : index
            %parallel_loop3A_119 = tpu.vector_load %arg7[%parallel_loop3A_117, %parallel_loop3A_118] {strides = array<i32>} : memref<128x128xf32, #tpu.memory_space<vmem>>, vector<16xf32>,
            %parallel_loop3A_120 = arith.constant 8.000000e+00 : f32
            %parallel_loop3A_121 = vector.broadcast %parallel_loop3A_120 : f32 to vector<16xf32>
            %parallel_loop3A_122 = arith.mulf %parallel_loop3A_119, %parallel_loop3A_121 : vector<16xf32>
            %parallel_loop3A_123 = arith.index_cast %parallel_loop3A_89 : i32 to index
            %parallel_loop3A_124 = arith.constant 48 : index
            %parallel_loop3A_125 = tpu.vector_load %arg9[%parallel_loop3A_123, %parallel_loop3A_124] {strides = array<i32>} : memref<128x128xf32, #tpu.memory_space<vmem>>, vector<16xf32>,
            tpu.vector_store %arg9[%parallel_loop3A_123, %parallel_loop3A_124], %parallel_loop3A_122 {strides = array<i32>} : memref<128x128xf32, #tpu.memory_space<vmem>>, vector<16xf32>,
          } {sc.loop_unroll_factor = 4 : i64, sc.parallel_access}
          %mul3A_76 = arith.constant 128 : i32
          %mul3A_77 = arith.muli %scan3A_37, %mul3A_76 : i32
          %add3A_78 = arith.addi %mul3A_2, %mul3A_77 : i32
          %dma_start3A_79 = arith.constant 0 : i32
          %dma_start3A_80 = tpu.memref_slice %arg4[%add3A_78, %dma_start3A_79] : memref<819200x128xf32, #tpu.memory_space<hbm>> -> memref<128x128xf32, #tpu.memory_space<hbm>>
          %dma_start3A_81 = arith.constant 0 : i32
          %dma_start3A_82 = tpu.memref_slice %arg4[%add3A_78, %dma_start3A_81] : memref<819200x128xf32, #tpu.memory_space<hbm>> -> memref<128x128xf32, #tpu.memory_space<hbm>>
          tpu.enqueue_dma source(%arg9 : memref<128x128xf32, #tpu.memory_space<vmem>>) target(%dma_start3A_82 : memref<128x128xf32, #tpu.memory_space<hbm>>) target_semaphore(%arg14 : memref<!tpu.dma_semaphore, #tpu.memory_space<semaphore_mem>>)
          %add3A_83 = arith.constant 3 : i32
          %add3A_84 = arith.addi %scan3A_37, %add3A_83 : i32
          %lt3A = arith.constant 200 : i32
          %lt3A_85 = arith.cmpi slt, %add3A_84, %lt3A : i32
          %convert_element_type3A_86 = arith.extui %lt3A_85 : i1 to i32
          %cond3A_87 = arith.constant 0 : i32
          %cond3A_88 = arith.cmpi ne, %convert_element_type3A_86, %cond3A_87 : i32
          scf.if %cond3A_88 {
            %add3A_89 = arith.constant 3 : i32
            %add3A_90 = arith.addi %scan3A_37, %add3A_89 : i32
            %dma_start3A_91 = arith.constant 0 : i32
            %dma_start3A_92 = tpu.memref_slice %arg5[%add3A_90, %dma_start3A_91] : memref<200x128xi32, #tpu.memory_space<vmem>> -> memref<1x128xi32, #tpu.memory_space<vmem>>
            %dma_start3A_93 = tpu.memref_squeeze %dma_start3A_92 : memref<1x128xi32, #tpu.memory_space<vmem>> -> memref<128xi32, #tpu.memory_space<vmem>>
            %dma_start3A_94 = arith.constant 0 : i32
            %dma_start3A_95 = arith.constant 0 : i32
            %dma_start3A_96 = tpu.memref_slice %arg3[%dma_start3A_94, %dma_start3A_95] : memref<1000000x128xf32, #tpu.memory_space<hbm>> -> memref<1000000x128xf32, #tpu.memory_space<hbm>>
            tpu.enqueue_indirect_dma source(%dma_start3A_96 : memref<1000000x128xf32, #tpu.memory_space<hbm>>) target(%arg7 : memref<128x128xf32, #tpu.memory_space<vmem>>) offsets(%dma_start3A_93 : memref<128xi32, #tpu.memory_space<vmem>>) semaphore(%arg12 : memref<!tpu.dma_semaphore, #tpu.memory_space<semaphore_mem>>)
          } else {
          }
        } else {
        }
        %eq3A_58 = arith.constant 1 : i32
        %eq3A_59 = arith.cmpi eq, %rem3A_40, %eq3A_58 : i32
        %convert_element_type3A_60 = arith.extui %eq3A_59 : i1 to i32
        %cond3A_61 = arith.constant 0 : i32
        %cond3A_62 = arith.cmpi ne, %convert_element_type3A_60, %cond3A_61 : i32
        scf.if %cond3A_62 {
          %dma_wait3A_63 = arith.constant 0 : i32
          %dma_wait3A_64 = arith.constant 0 : i32
          %dma_wait3A_65 = tpu.memref_slice %arg5[%dma_wait3A_63, %dma_wait3A_64] : memref<200x128xi32, #tpu.memory_space<vmem>> -> memref<1x128xi32, #tpu.memory_space<vmem>>
          %dma_wait3A_66 = tpu.memref_squeeze %dma_wait3A_65 : memref<1x128xi32, #tpu.memory_space<vmem>> -> memref<128xi32, #tpu.memory_space<vmem>>
          %dma_wait3A_67 = arith.constant 0 : i32
          %dma_wait3A_68 = arith.constant 0 : i32
          %dma_wait3A_69 = tpu.memref_slice %arg3[%dma_wait3A_67, %dma_wait3A_68] : memref<1000000x128xf32, #tpu.memory_space<hbm>> -> memref<1000000x128xf32, #tpu.memory_space<hbm>>
          tpu.wait_indirect_dma semaphore(%arg12 : memref<!tpu.dma_semaphore, #tpu.memory_space<semaphore_mem>>) src(%dma_wait3A_69 : memref<1000000x128xf32, #tpu.memory_space<hbm>>) dst(%arg7 : memref<128x128xf32, #tpu.memory_space<vmem>>)
          %ge3A = arith.constant 2 : i32
          %ge3A_70 = arith.cmpi sge, %scan3A_37, %ge3A : i32
          %convert_element_type3A_71 = arith.extui %ge3A_70 : i1 to i32
          %cond3A_72 = arith.constant 0 : i32
          %cond3A_73 = arith.cmpi ne, %convert_element_type3A_71, %cond3A_72 : i32
          scf.if %cond3A_73 {
            %dma_wait3A_89 = arith.constant 0 : i32
            %dma_wait3A_90 = tpu.memref_slice %arg4[%mul3A_2, %dma_wait3A_89] : memref<819200x128xf32, #tpu.memory_space<hbm>> -> memref<128x128xf32, #tpu.memory_space<hbm>>
            %dma_wait3A_91 = arith.constant 0 : i32
            %dma_wait3A_92 = tpu.memref_slice %arg4[%mul3A_2, %dma_wait3A_91] : memref<819200x128xf32, #tpu.memory_space<hbm>> -> memref<128x128xf32, #tpu.memory_space<hbm>>
            tpu.wait_dma2 semaphore(%arg15 : memref<!tpu.dma_semaphore, #tpu.memory_space<semaphore_mem>>) src(%arg10 : memref<128x128xf32, #tpu.memory_space<vmem>>) dst(%dma_wait3A_92 : memref<128x128xf32, #tpu.memory_space<hbm>>)
          } else {
          }
          %parallel_loop3A = arith.constant 0 : i32
          %parallel_loop3A_74 = arith.constant 128 : i32
          %parallel_loop3A_75 = arith.constant 1 : i32
          scf.for %parallel_loop3A_89 = %parallel_loop3A to %parallel_loop3A_74 step %parallel_loop3A_75  : i32 {
            %parallel_loop3A_90 = arith.index_cast %parallel_loop3A_89 : i32 to index
            %parallel_loop3A_91 = arith.constant 0 : index
            %parallel_loop3A_92 = tpu.vector_load %arg7[%parallel_loop3A_90, %parallel_loop3A_91] {strides = array<i32>} : memref<128x128xf32, #tpu.memory_space<vmem>>, vector<16xf32>,
            %parallel_loop3A_93 = arith.constant 8.000000e+00 : f32
            %parallel_loop3A_94 = vector.broadcast %parallel_loop3A_93 : f32 to vector<16xf32>
            %parallel_loop3A_95 = arith.mulf %parallel_loop3A_92, %parallel_loop3A_94 : vector<16xf32>
            %parallel_loop3A_96 = arith.index_cast %parallel_loop3A_89 : i32 to index
            %parallel_loop3A_97 = arith.constant 0 : index
            %parallel_loop3A_98 = tpu.vector_load %arg10[%parallel_loop3A_96, %parallel_loop3A_97] {strides = array<i32>} : memref<128x128xf32, #tpu.memory_space<vmem>>, vector<16xf32>,
            tpu.vector_store %arg10[%parallel_loop3A_96, %parallel_loop3A_97], %parallel_loop3A_95 {strides = array<i32>} : memref<128x128xf32, #tpu.memory_space<vmem>>, vector<16xf32>,
            %parallel_loop3A_99 = arith.index_cast %parallel_loop3A_89 : i32 to index
            %parallel_loop3A_100 = arith.constant 16 : index
            %parallel_loop3A_101 = tpu.vector_load %arg7[%parallel_loop3A_99, %parallel_loop3A_100] {strides = array<i32>} : memref<128x128xf32, #tpu.memory_space<vmem>>, vector<16xf32>,
            %parallel_loop3A_102 = arith.constant 8.000000e+00 : f32
            %parallel_loop3A_103 = vector.broadcast %parallel_loop3A_102 : f32 to vector<16xf32>
            %parallel_loop3A_104 = arith.mulf %parallel_loop3A_101, %parallel_loop3A_103 : vector<16xf32>
            %parallel_loop3A_105 = arith.index_cast %parallel_loop3A_89 : i32 to index
            %parallel_loop3A_106 = arith.constant 16 : index
            %parallel_loop3A_107 = tpu.vector_load %arg10[%parallel_loop3A_105, %parallel_loop3A_106] {strides = array<i32>} : memref<128x128xf32, #tpu.memory_space<vmem>>, vector<16xf32>,
            tpu.vector_store %arg10[%parallel_loop3A_105, %parallel_loop3A_106], %parallel_loop3A_104 {strides = array<i32>} : memref<128x128xf32, #tpu.memory_space<vmem>>, vector<16xf32>,
            %parallel_loop3A_108 = arith.index_cast %parallel_loop3A_89 : i32 to index
            %parallel_loop3A_109 = arith.constant 32 : index
            %parallel_loop3A_110 = tpu.vector_load %arg7[%parallel_loop3A_108, %parallel_loop3A_109] {strides = array<i32>} : memref<128x128xf32, #tpu.memory_space<vmem>>, vector<16xf32>,
            %parallel_loop3A_111 = arith.constant 8.000000e+00 : f32
            %parallel_loop3A_112 = vector.broadcast %parallel_loop3A_111 : f32 to vector<16xf32>
            %parallel_loop3A_113 = arith.mulf %parallel_loop3A_110, %parallel_loop3A_112 : vector<16xf32>
            %parallel_loop3A_114 = arith.index_cast %parallel_loop3A_89 : i32 to index
            %parallel_loop3A_115 = arith.constant 32 : index
            %parallel_loop3A_116 = tpu.vector_load %arg10[%parallel_loop3A_114, %parallel_loop3A_115] {strides = array<i32>} : memref<128x128xf32, #tpu.memory_space<vmem>>, vector<16xf32>,
            tpu.vector_store %arg10[%parallel_loop3A_114, %parallel_loop3A_115], %parallel_loop3A_113 {strides = array<i32>} : memref<128x128xf32, #tpu.memory_space<vmem>>, vector<16xf32>,
            %parallel_loop3A_117 = arith.index_cast %parallel_loop3A_89 : i32 to index
            %parallel_loop3A_118 = arith.constant 48 : index
            %parallel_loop3A_119 = tpu.vector_load %arg7[%parallel_loop3A_117, %parallel_loop3A_118] {strides = array<i32>} : memref<128x128xf32, #tpu.memory_space<vmem>>, vector<16xf32>,
            %parallel_loop3A_120 = arith.constant 8.000000e+00 : f32
            %parallel_loop3A_121 = vector.broadcast %parallel_loop3A_120 : f32 to vector<16xf32>
            %parallel_loop3A_122 = arith.mulf %parallel_loop3A_119, %parallel_loop3A_121 : vector<16xf32>
            %parallel_loop3A_123 = arith.index_cast %parallel_loop3A_89 : i32 to index
            %parallel_loop3A_124 = arith.constant 48 : index
            %parallel_loop3A_125 = tpu.vector_load %arg10[%parallel_loop3A_123, %parallel_loop3A_124] {strides = array<i32>} : memref<128x128xf32, #tpu.memory_space<vmem>>, vector<16xf32>,
            tpu.vector_store %arg10[%parallel_loop3A_123, %parallel_loop3A_124], %parallel_loop3A_122 {strides = array<i32>} : memref<128x128xf32, #tpu.memory_space<vmem>>, vector<16xf32>,
          } {sc.loop_unroll_factor = 4 : i64, sc.parallel_access}
          %mul3A_76 = arith.constant 128 : i32
          %mul3A_77 = arith.muli %scan3A_37, %mul3A_76 : i32
          %add3A_78 = arith.addi %mul3A_2, %mul3A_77 : i32
          %dma_start3A_79 = arith.constant 0 : i32
          %dma_start3A_80 = tpu.memref_slice %arg4[%add3A_78, %dma_start3A_79] : memref<819200x128xf32, #tpu.memory_space<hbm>> -> memref<128x128xf32, #tpu.memory_space<hbm>>
          %dma_start3A_81 = arith.constant 0 : i32
          %dma_start3A_82 = tpu.memref_slice %arg4[%add3A_78, %dma_start3A_81] : memref<819200x128xf32, #tpu.memory_space<hbm>> -> memref<128x128xf32, #tpu.memory_space<hbm>>
          tpu.enqueue_dma source(%arg10 : memref<128x128xf32, #tpu.memory_space<vmem>>) target(%dma_start3A_82 : memref<128x128xf32, #tpu.memory_space<hbm>>) target_semaphore(%arg15 : memref<!tpu.dma_semaphore, #tpu.memory_space<semaphore_mem>>)
          %add3A_83 = arith.constant 3 : i32
          %add3A_84 = arith.addi %scan3A_37, %add3A_83 : i32
          %lt3A = arith.constant 200 : i32
          %lt3A_85 = arith.cmpi slt, %add3A_84, %lt3A : i32
          %convert_element_type3A_86 = arith.extui %lt3A_85 : i1 to i32
          %cond3A_87 = arith.constant 0 : i32
          %cond3A_88 = arith.cmpi ne, %convert_element_type3A_86, %cond3A_87 : i32
          scf.if %cond3A_88 {
            %add3A_89 = arith.constant 3 : i32
            %add3A_90 = arith.addi %scan3A_37, %add3A_89 : i32
            %dma_start3A_91 = arith.constant 0 : i32
            %dma_start3A_92 = tpu.memref_slice %arg5[%add3A_90, %dma_start3A_91] : memref<200x128xi32, #tpu.memory_space<vmem>> -> memref<1x128xi32, #tpu.memory_space<vmem>>
            %dma_start3A_93 = tpu.memref_squeeze %dma_start3A_92 : memref<1x128xi32, #tpu.memory_space<vmem>> -> memref<128xi32, #tpu.memory_space<vmem>>
            %dma_start3A_94 = arith.constant 0 : i32
            %dma_start3A_95 = arith.constant 0 : i32
            %dma_start3A_96 = tpu.memref_slice %arg3[%dma_start3A_94, %dma_start3A_95] : memref<1000000x128xf32, #tpu.memory_space<hbm>> -> memref<1000000x128xf32, #tpu.memory_space<hbm>>
            tpu.enqueue_indirect_dma source(%dma_start3A_96 : memref<1000000x128xf32, #tpu.memory_space<hbm>>) target(%arg7 : memref<128x128xf32, #tpu.memory_space<vmem>>) offsets(%dma_start3A_93 : memref<128xi32, #tpu.memory_space<vmem>>) semaphore(%arg12 : memref<!tpu.dma_semaphore, #tpu.memory_space<semaphore_mem>>)
          } else {
          }
        } else {
        }
      } else {
      }
      %eq3A_48 = arith.constant 2 : i32
      %eq3A_49 = arith.cmpi eq, %rem3A_38, %eq3A_48 : i32
      %convert_element_type3A_50 = arith.extui %eq3A_49 : i1 to i32
      %cond3A_51 = arith.constant 0 : i32
      %cond3A_52 = arith.cmpi ne, %convert_element_type3A_50, %cond3A_51 : i32
      scf.if %cond3A_52 {
        %eq3A_53 = arith.constant 0 : i32
        %eq3A_54 = arith.cmpi eq, %rem3A_40, %eq3A_53 : i32
        %convert_element_type3A_55 = arith.extui %eq3A_54 : i1 to i32
        %cond3A_56 = arith.constant 0 : i32
        %cond3A_57 = arith.cmpi ne, %convert_element_type3A_55, %cond3A_56 : i32
        scf.if %cond3A_57 {
          %dma_wait3A_63 = arith.constant 0 : i32
          %dma_wait3A_64 = arith.constant 0 : i32
          %dma_wait3A_65 = tpu.memref_slice %arg5[%dma_wait3A_63, %dma_wait3A_64] : memref<200x128xi32, #tpu.memory_space<vmem>> -> memref<1x128xi32, #tpu.memory_space<vmem>>
          %dma_wait3A_66 = tpu.memref_squeeze %dma_wait3A_65 : memref<1x128xi32, #tpu.memory_space<vmem>> -> memref<128xi32, #tpu.memory_space<vmem>>
          %dma_wait3A_67 = arith.constant 0 : i32
          %dma_wait3A_68 = arith.constant 0 : i32
          %dma_wait3A_69 = tpu.memref_slice %arg3[%dma_wait3A_67, %dma_wait3A_68] : memref<1000000x128xf32, #tpu.memory_space<hbm>> -> memref<1000000x128xf32, #tpu.memory_space<hbm>>
          tpu.wait_indirect_dma semaphore(%arg13 : memref<!tpu.dma_semaphore, #tpu.memory_space<semaphore_mem>>) src(%dma_wait3A_69 : memref<1000000x128xf32, #tpu.memory_space<hbm>>) dst(%arg8 : memref<128x128xf32, #tpu.memory_space<vmem>>)
          %ge3A = arith.constant 2 : i32
          %ge3A_70 = arith.cmpi sge, %scan3A_37, %ge3A : i32
          %convert_element_type3A_71 = arith.extui %ge3A_70 : i1 to i32
          %cond3A_72 = arith.constant 0 : i32
          %cond3A_73 = arith.cmpi ne, %convert_element_type3A_71, %cond3A_72 : i32
          scf.if %cond3A_73 {
            %dma_wait3A_89 = arith.constant 0 : i32
            %dma_wait3A_90 = tpu.memref_slice %arg4[%mul3A_2, %dma_wait3A_89] : memref<819200x128xf32, #tpu.memory_space<hbm>> -> memref<128x128xf32, #tpu.memory_space<hbm>>
            %dma_wait3A_91 = arith.constant 0 : i32
            %dma_wait3A_92 = tpu.memref_slice %arg4[%mul3A_2, %dma_wait3A_91] : memref<819200x128xf32, #tpu.memory_space<hbm>> -> memref<128x128xf32, #tpu.memory_space<hbm>>
            tpu.wait_dma2 semaphore(%arg14 : memref<!tpu.dma_semaphore, #tpu.memory_space<semaphore_mem>>) src(%arg9 : memref<128x128xf32, #tpu.memory_space<vmem>>) dst(%dma_wait3A_92 : memref<128x128xf32, #tpu.memory_space<hbm>>)
          } else {
          }
          %parallel_loop3A = arith.constant 0 : i32
          %parallel_loop3A_74 = arith.constant 128 : i32
          %parallel_loop3A_75 = arith.constant 1 : i32
          scf.for %parallel_loop3A_89 = %parallel_loop3A to %parallel_loop3A_74 step %parallel_loop3A_75  : i32 {
            %parallel_loop3A_90 = arith.index_cast %parallel_loop3A_89 : i32 to index
            %parallel_loop3A_91 = arith.constant 0 : index
            %parallel_loop3A_92 = tpu.vector_load %arg8[%parallel_loop3A_90, %parallel_loop3A_91] {strides = array<i32>} : memref<128x128xf32, #tpu.memory_space<vmem>>, vector<16xf32>,
            %parallel_loop3A_93 = arith.constant 8.000000e+00 : f32
            %parallel_loop3A_94 = vector.broadcast %parallel_loop3A_93 : f32 to vector<16xf32>
            %parallel_loop3A_95 = arith.mulf %parallel_loop3A_92, %parallel_loop3A_94 : vector<16xf32>
            %parallel_loop3A_96 = arith.index_cast %parallel_loop3A_89 : i32 to index
            %parallel_loop3A_97 = arith.constant 0 : index
            %parallel_loop3A_98 = tpu.vector_load %arg9[%parallel_loop3A_96, %parallel_loop3A_97] {strides = array<i32>} : memref<128x128xf32, #tpu.memory_space<vmem>>, vector<16xf32>,
            tpu.vector_store %arg9[%parallel_loop3A_96, %parallel_loop3A_97], %parallel_loop3A_95 {strides = array<i32>} : memref<128x128xf32, #tpu.memory_space<vmem>>, vector<16xf32>,
            %parallel_loop3A_99 = arith.index_cast %parallel_loop3A_89 : i32 to index
            %parallel_loop3A_100 = arith.constant 16 : index
            %parallel_loop3A_101 = tpu.vector_load %arg8[%parallel_loop3A_99, %parallel_loop3A_100] {strides = array<i32>} : memref<128x128xf32, #tpu.memory_space<vmem>>, vector<16xf32>,
            %parallel_loop3A_102 = arith.constant 8.000000e+00 : f32
            %parallel_loop3A_103 = vector.broadcast %parallel_loop3A_102 : f32 to vector<16xf32>
            %parallel_loop3A_104 = arith.mulf %parallel_loop3A_101, %parallel_loop3A_103 : vector<16xf32>
            %parallel_loop3A_105 = arith.index_cast %parallel_loop3A_89 : i32 to index
            %parallel_loop3A_106 = arith.constant 16 : index
            %parallel_loop3A_107 = tpu.vector_load %arg9[%parallel_loop3A_105, %parallel_loop3A_106] {strides = array<i32>} : memref<128x128xf32, #tpu.memory_space<vmem>>, vector<16xf32>,
            tpu.vector_store %arg9[%parallel_loop3A_105, %parallel_loop3A_106], %parallel_loop3A_104 {strides = array<i32>} : memref<128x128xf32, #tpu.memory_space<vmem>>, vector<16xf32>,
            %parallel_loop3A_108 = arith.index_cast %parallel_loop3A_89 : i32 to index
            %parallel_loop3A_109 = arith.constant 32 : index
            %parallel_loop3A_110 = tpu.vector_load %arg8[%parallel_loop3A_108, %parallel_loop3A_109] {strides = array<i32>} : memref<128x128xf32, #tpu.memory_space<vmem>>, vector<16xf32>,
            %parallel_loop3A_111 = arith.constant 8.000000e+00 : f32
            %parallel_loop3A_112 = vector.broadcast %parallel_loop3A_111 : f32 to vector<16xf32>
            %parallel_loop3A_113 = arith.mulf %parallel_loop3A_110, %parallel_loop3A_112 : vector<16xf32>
            %parallel_loop3A_114 = arith.index_cast %parallel_loop3A_89 : i32 to index
            %parallel_loop3A_115 = arith.constant 32 : index
            %parallel_loop3A_116 = tpu.vector_load %arg9[%parallel_loop3A_114, %parallel_loop3A_115] {strides = array<i32>} : memref<128x128xf32, #tpu.memory_space<vmem>>, vector<16xf32>,
            tpu.vector_store %arg9[%parallel_loop3A_114, %parallel_loop3A_115], %parallel_loop3A_113 {strides = array<i32>} : memref<128x128xf32, #tpu.memory_space<vmem>>, vector<16xf32>,
            %parallel_loop3A_117 = arith.index_cast %parallel_loop3A_89 : i32 to index
            %parallel_loop3A_118 = arith.constant 48 : index
            %parallel_loop3A_119 = tpu.vector_load %arg8[%parallel_loop3A_117, %parallel_loop3A_118] {strides = array<i32>} : memref<128x128xf32, #tpu.memory_space<vmem>>, vector<16xf32>,
            %parallel_loop3A_120 = arith.constant 8.000000e+00 : f32
            %parallel_loop3A_121 = vector.broadcast %parallel_loop3A_120 : f32 to vector<16xf32>
            %parallel_loop3A_122 = arith.mulf %parallel_loop3A_119, %parallel_loop3A_121 : vector<16xf32>
            %parallel_loop3A_123 = arith.index_cast %parallel_loop3A_89 : i32 to index
            %parallel_loop3A_124 = arith.constant 48 : index
            %parallel_loop3A_125 = tpu.vector_load %arg9[%parallel_loop3A_123, %parallel_loop3A_124] {strides = array<i32>} : memref<128x128xf32, #tpu.memory_space<vmem>>, vector<16xf32>,
            tpu.vector_store %arg9[%parallel_loop3A_123, %parallel_loop3A_124], %parallel_loop3A_122 {strides = array<i32>} : memref<128x128xf32, #tpu.memory_space<vmem>>, vector<16xf32>,
          } {sc.loop_unroll_factor = 4 : i64, sc.parallel_access}
          %mul3A_76 = arith.constant 128 : i32
          %mul3A_77 = arith.muli %scan3A_37, %mul3A_76 : i32
          %add3A_78 = arith.addi %mul3A_2, %mul3A_77 : i32
          %dma_start3A_79 = arith.constant 0 : i32
          %dma_start3A_80 = tpu.memref_slice %arg4[%add3A_78, %dma_start3A_79] : memref<819200x128xf32, #tpu.memory_space<hbm>> -> memref<128x128xf32, #tpu.memory_space<hbm>>
          %dma_start3A_81 = arith.constant 0 : i32
          %dma_start3A_82 = tpu.memref_slice %arg4[%add3A_78, %dma_start3A_81] : memref<819200x128xf32, #tpu.memory_space<hbm>> -> memref<128x128xf32, #tpu.memory_space<hbm>>
          tpu.enqueue_dma source(%arg9 : memref<128x128xf32, #tpu.memory_space<vmem>>) target(%dma_start3A_82 : memref<128x128xf32, #tpu.memory_space<hbm>>) target_semaphore(%arg14 : memref<!tpu.dma_semaphore, #tpu.memory_space<semaphore_mem>>)
          %add3A_83 = arith.constant 3 : i32
          %add3A_84 = arith.addi %scan3A_37, %add3A_83 : i32
          %lt3A = arith.constant 200 : i32
          %lt3A_85 = arith.cmpi slt, %add3A_84, %lt3A : i32
          %convert_element_type3A_86 = arith.extui %lt3A_85 : i1 to i32
          %cond3A_87 = arith.constant 0 : i32
          %cond3A_88 = arith.cmpi ne, %convert_element_type3A_86, %cond3A_87 : i32
          scf.if %cond3A_88 {
            %add3A_89 = arith.constant 3 : i32
            %add3A_90 = arith.addi %scan3A_37, %add3A_89 : i32
            %dma_start3A_91 = arith.constant 0 : i32
            %dma_start3A_92 = tpu.memref_slice %arg5[%add3A_90, %dma_start3A_91] : memref<200x128xi32, #tpu.memory_space<vmem>> -> memref<1x128xi32, #tpu.memory_space<vmem>>
            %dma_start3A_93 = tpu.memref_squeeze %dma_start3A_92 : memref<1x128xi32, #tpu.memory_space<vmem>> -> memref<128xi32, #tpu.memory_space<vmem>>
            %dma_start3A_94 = arith.constant 0 : i32
            %dma_start3A_95 = arith.constant 0 : i32
            %dma_start3A_96 = tpu.memref_slice %arg3[%dma_start3A_94, %dma_start3A_95] : memref<1000000x128xf32, #tpu.memory_space<hbm>> -> memref<1000000x128xf32, #tpu.memory_space<hbm>>
            tpu.enqueue_indirect_dma source(%dma_start3A_96 : memref<1000000x128xf32, #tpu.memory_space<hbm>>) target(%arg8 : memref<128x128xf32, #tpu.memory_space<vmem>>) offsets(%dma_start3A_93 : memref<128xi32, #tpu.memory_space<vmem>>) semaphore(%arg13 : memref<!tpu.dma_semaphore, #tpu.memory_space<semaphore_mem>>)
          } else {
          }
        } else {
        }
        %eq3A_58 = arith.constant 1 : i32
        %eq3A_59 = arith.cmpi eq, %rem3A_40, %eq3A_58 : i32
        %convert_element_type3A_60 = arith.extui %eq3A_59 : i1 to i32
        %cond3A_61 = arith.constant 0 : i32
        %cond3A_62 = arith.cmpi ne, %convert_element_type3A_60, %cond3A_61 : i32
        scf.if %cond3A_62 {
          %dma_wait3A_63 = arith.constant 0 : i32
          %dma_wait3A_64 = arith.constant 0 : i32
          %dma_wait3A_65 = tpu.memref_slice %arg5[%dma_wait3A_63, %dma_wait3A_64] : memref<200x128xi32, #tpu.memory_space<vmem>> -> memref<1x128xi32, #tpu.memory_space<vmem>>
          %dma_wait3A_66 = tpu.memref_squeeze %dma_wait3A_65 : memref<1x128xi32, #tpu.memory_space<vmem>> -> memref<128xi32, #tpu.memory_space<vmem>>
          %dma_wait3A_67 = arith.constant 0 : i32
          %dma_wait3A_68 = arith.constant 0 : i32
          %dma_wait3A_69 = tpu.memref_slice %arg3[%dma_wait3A_67, %dma_wait3A_68] : memref<1000000x128xf32, #tpu.memory_space<hbm>> -> memref<1000000x128xf32, #tpu.memory_space<hbm>>
          tpu.wait_indirect_dma semaphore(%arg13 : memref<!tpu.dma_semaphore, #tpu.memory_space<semaphore_mem>>) src(%dma_wait3A_69 : memref<1000000x128xf32, #tpu.memory_space<hbm>>) dst(%arg8 : memref<128x128xf32, #tpu.memory_space<vmem>>)
          %ge3A = arith.constant 2 : i32
          %ge3A_70 = arith.cmpi sge, %scan3A_37, %ge3A : i32
          %convert_element_type3A_71 = arith.extui %ge3A_70 : i1 to i32
          %cond3A_72 = arith.constant 0 : i32
          %cond3A_73 = arith.cmpi ne, %convert_element_type3A_71, %cond3A_72 : i32
          scf.if %cond3A_73 {
            %dma_wait3A_89 = arith.constant 0 : i32
            %dma_wait3A_90 = tpu.memref_slice %arg4[%mul3A_2, %dma_wait3A_89] : memref<819200x128xf32, #tpu.memory_space<hbm>> -> memref<128x128xf32, #tpu.memory_space<hbm>>
            %dma_wait3A_91 = arith.constant 0 : i32
            %dma_wait3A_92 = tpu.memref_slice %arg4[%mul3A_2, %dma_wait3A_91] : memref<819200x128xf32, #tpu.memory_space<hbm>> -> memref<128x128xf32, #tpu.memory_space<hbm>>
            tpu.wait_dma2 semaphore(%arg15 : memref<!tpu.dma_semaphore, #tpu.memory_space<semaphore_mem>>) src(%arg10 : memref<128x128xf32, #tpu.memory_space<vmem>>) dst(%dma_wait3A_92 : memref<128x128xf32, #tpu.memory_space<hbm>>)
          } else {
          }
          %parallel_loop3A = arith.constant 0 : i32
          %parallel_loop3A_74 = arith.constant 128 : i32
          %parallel_loop3A_75 = arith.constant 1 : i32
          scf.for %parallel_loop3A_89 = %parallel_loop3A to %parallel_loop3A_74 step %parallel_loop3A_75  : i32 {
            %parallel_loop3A_90 = arith.index_cast %parallel_loop3A_89 : i32 to index
            %parallel_loop3A_91 = arith.constant 0 : index
            %parallel_loop3A_92 = tpu.vector_load %arg8[%parallel_loop3A_90, %parallel_loop3A_91] {strides = array<i32>} : memref<128x128xf32, #tpu.memory_space<vmem>>, vector<16xf32>,
            %parallel_loop3A_93 = arith.constant 8.000000e+00 : f32
            %parallel_loop3A_94 = vector.broadcast %parallel_loop3A_93 : f32 to vector<16xf32>
            %parallel_loop3A_95 = arith.mulf %parallel_loop3A_92, %parallel_loop3A_94 : vector<16xf32>
            %parallel_loop3A_96 = arith.index_cast %parallel_loop3A_89 : i32 to index
            %parallel_loop3A_97 = arith.constant 0 : index
            %parallel_loop3A_98 = tpu.vector_load %arg10[%parallel_loop3A_96, %parallel_loop3A_97] {strides = array<i32>} : memref<128x128xf32, #tpu.memory_space<vmem>>, vector<16xf32>,
            tpu.vector_store %arg10[%parallel_loop3A_96, %parallel_loop3A_97], %parallel_loop3A_95 {strides = array<i32>} : memref<128x128xf32, #tpu.memory_space<vmem>>, vector<16xf32>,
            %parallel_loop3A_99 = arith.index_cast %parallel_loop3A_89 : i32 to index
            %parallel_loop3A_100 = arith.constant 16 : index
            %parallel_loop3A_101 = tpu.vector_load %arg8[%parallel_loop3A_99, %parallel_loop3A_100] {strides = array<i32>} : memref<128x128xf32, #tpu.memory_space<vmem>>, vector<16xf32>,
            %parallel_loop3A_102 = arith.constant 8.000000e+00 : f32
            %parallel_loop3A_103 = vector.broadcast %parallel_loop3A_102 : f32 to vector<16xf32>
            %parallel_loop3A_104 = arith.mulf %parallel_loop3A_101, %parallel_loop3A_103 : vector<16xf32>
            %parallel_loop3A_105 = arith.index_cast %parallel_loop3A_89 : i32 to index
            %parallel_loop3A_106 = arith.constant 16 : index
            %parallel_loop3A_107 = tpu.vector_load %arg10[%parallel_loop3A_105, %parallel_loop3A_106] {strides = array<i32>} : memref<128x128xf32, #tpu.memory_space<vmem>>, vector<16xf32>,
            tpu.vector_store %arg10[%parallel_loop3A_105, %parallel_loop3A_106], %parallel_loop3A_104 {strides = array<i32>} : memref<128x128xf32, #tpu.memory_space<vmem>>, vector<16xf32>,
            %parallel_loop3A_108 = arith.index_cast %parallel_loop3A_89 : i32 to index
            %parallel_loop3A_109 = arith.constant 32 : index
            %parallel_loop3A_110 = tpu.vector_load %arg8[%parallel_loop3A_108, %parallel_loop3A_109] {strides = array<i32>} : memref<128x128xf32, #tpu.memory_space<vmem>>, vector<16xf32>,
            %parallel_loop3A_111 = arith.constant 8.000000e+00 : f32
            %parallel_loop3A_112 = vector.broadcast %parallel_loop3A_111 : f32 to vector<16xf32>
            %parallel_loop3A_113 = arith.mulf %parallel_loop3A_110, %parallel_loop3A_112 : vector<16xf32>
            %parallel_loop3A_114 = arith.index_cast %parallel_loop3A_89 : i32 to index
            %parallel_loop3A_115 = arith.constant 32 : index
            %parallel_loop3A_116 = tpu.vector_load %arg10[%parallel_loop3A_114, %parallel_loop3A_115] {strides = array<i32>} : memref<128x128xf32, #tpu.memory_space<vmem>>, vector<16xf32>,
            tpu.vector_store %arg10[%parallel_loop3A_114, %parallel_loop3A_115], %parallel_loop3A_113 {strides = array<i32>} : memref<128x128xf32, #tpu.memory_space<vmem>>, vector<16xf32>,
            %parallel_loop3A_117 = arith.index_cast %parallel_loop3A_89 : i32 to index
            %parallel_loop3A_118 = arith.constant 48 : index
            %parallel_loop3A_119 = tpu.vector_load %arg8[%parallel_loop3A_117, %parallel_loop3A_118] {strides = array<i32>} : memref<128x128xf32, #tpu.memory_space<vmem>>, vector<16xf32>,
            %parallel_loop3A_120 = arith.constant 8.000000e+00 : f32
            %parallel_loop3A_121 = vector.broadcast %parallel_loop3A_120 : f32 to vector<16xf32>
            %parallel_loop3A_122 = arith.mulf %parallel_loop3A_119, %parallel_loop3A_121 : vector<16xf32>
            %parallel_loop3A_123 = arith.index_cast %parallel_loop3A_89 : i32 to index
            %parallel_loop3A_124 = arith.constant 48 : index
            %parallel_loop3A_125 = tpu.vector_load %arg10[%parallel_loop3A_123, %parallel_loop3A_124] {strides = array<i32>} : memref<128x128xf32, #tpu.memory_space<vmem>>, vector<16xf32>,
            tpu.vector_store %arg10[%parallel_loop3A_123, %parallel_loop3A_124], %parallel_loop3A_122 {strides = array<i32>} : memref<128x128xf32, #tpu.memory_space<vmem>>, vector<16xf32>,
          } {sc.loop_unroll_factor = 4 : i64, sc.parallel_access}
          %mul3A_76 = arith.constant 128 : i32
          %mul3A_77 = arith.muli %scan3A_37, %mul3A_76 : i32
          %add3A_78 = arith.addi %mul3A_2, %mul3A_77 : i32
          %dma_start3A_79 = arith.constant 0 : i32
          %dma_start3A_80 = tpu.memref_slice %arg4[%add3A_78, %dma_start3A_79] : memref<819200x128xf32, #tpu.memory_space<hbm>> -> memref<128x128xf32, #tpu.memory_space<hbm>>
          %dma_start3A_81 = arith.constant 0 : i32
          %dma_start3A_82 = tpu.memref_slice %arg4[%add3A_78, %dma_start3A_81] : memref<819200x128xf32, #tpu.memory_space<hbm>> -> memref<128x128xf32, #tpu.memory_space<hbm>>
          tpu.enqueue_dma source(%arg10 : memref<128x128xf32, #tpu.memory_space<vmem>>) target(%dma_start3A_82 : memref<128x128xf32, #tpu.memory_space<hbm>>) target_semaphore(%arg15 : memref<!tpu.dma_semaphore, #tpu.memory_space<semaphore_mem>>)
          %add3A_83 = arith.constant 3 : i32
          %add3A_84 = arith.addi %scan3A_37, %add3A_83 : i32
          %lt3A = arith.constant 200 : i32
          %lt3A_85 = arith.cmpi slt, %add3A_84, %lt3A : i32
          %convert_element_type3A_86 = arith.extui %lt3A_85 : i1 to i32
          %cond3A_87 = arith.constant 0 : i32
          %cond3A_88 = arith.cmpi ne, %convert_element_type3A_86, %cond3A_87 : i32
          scf.if %cond3A_88 {
            %add3A_89 = arith.constant 3 : i32
            %add3A_90 = arith.addi %scan3A_37, %add3A_89 : i32
            %dma_start3A_91 = arith.constant 0 : i32
            %dma_start3A_92 = tpu.memref_slice %arg5[%add3A_90, %dma_start3A_91] : memref<200x128xi32, #tpu.memory_space<vmem>> -> memref<1x128xi32, #tpu.memory_space<vmem>>
            %dma_start3A_93 = tpu.memref_squeeze %dma_start3A_92 : memref<1x128xi32, #tpu.memory_space<vmem>> -> memref<128xi32, #tpu.memory_space<vmem>>
            %dma_start3A_94 = arith.constant 0 : i32
            %dma_start3A_95 = arith.constant 0 : i32
            %dma_start3A_96 = tpu.memref_slice %arg3[%dma_start3A_94, %dma_start3A_95] : memref<1000000x128xf32, #tpu.memory_space<hbm>> -> memref<1000000x128xf32, #tpu.memory_space<hbm>>
            tpu.enqueue_indirect_dma source(%dma_start3A_96 : memref<1000000x128xf32, #tpu.memory_space<hbm>>) target(%arg8 : memref<128x128xf32, #tpu.memory_space<vmem>>) offsets(%dma_start3A_93 : memref<128xi32, #tpu.memory_space<vmem>>) semaphore(%arg13 : memref<!tpu.dma_semaphore, #tpu.memory_space<semaphore_mem>>)
          } else {
          }
        } else {
        }
      } else {
      }
    }
    %scan3A_29 = arith.constant 200 : i32
    %dma_wait3A = arith.constant 0 : i32
    %dma_wait3A_30 = tpu.memref_slice %arg4[%mul3A_2, %dma_wait3A] : memref<819200x128xf32, #tpu.memory_space<hbm>> -> memref<128x128xf32, #tpu.memory_space<hbm>>
    %dma_wait3A_31 = arith.constant 0 : i32
    %dma_wait3A_32 = tpu.memref_slice %arg4[%mul3A_2, %dma_wait3A_31] : memref<819200x128xf32, #tpu.memory_space<hbm>> -> memref<128x128xf32, #tpu.memory_space<hbm>>
    tpu.wait_dma2 semaphore(%arg14 : memref<!tpu.dma_semaphore, #tpu.memory_space<semaphore_mem>>) src(%arg9 : memref<128x128xf32, #tpu.memory_space<vmem>>) dst(%dma_wait3A_32 : memref<128x128xf32, #tpu.memory_space<hbm>>)
    %dma_wait3A_33 = arith.constant 0 : i32
    %dma_wait3A_34 = tpu.memref_slice %arg4[%mul3A_2, %dma_wait3A_33] : memref<819200x128xf32, #tpu.memory_space<hbm>> -> memref<128x128xf32, #tpu.memory_space<hbm>>
    %dma_wait3A_35 = arith.constant 0 : i32
    %dma_wait3A_36 = tpu.memref_slice %arg4[%mul3A_2, %dma_wait3A_35] : memref<819200x128xf32, #tpu.memory_space<hbm>> -> memref<128x128xf32, #tpu.memory_space<hbm>>
    tpu.wait_dma2 semaphore(%arg15 : memref<!tpu.dma_semaphore, #tpu.memory_space<semaphore_mem>>) src(%arg10 : memref<128x128xf32, #tpu.memory_space<vmem>>) dst(%dma_wait3A_36 : memref<128x128xf32, #tpu.memory_space<hbm>>)
    return
  }
}

</mosaic_0001>

<sc_bundles>
// kernel: kernel.3.cloned.1.call-start
scs
__scs_entry_jumppad:
0x0: {  	(pc) =	sbr.rel $0x88, $3  }
0x1: {  	(tag) =	ssettag $0x0;
	lr =	simm.s32 $0x1  }
0x2: {  	[smem:$0x3F9F] =	sst lr;
	_ =	strace $0xD0000000  }
0x3: {  	_ = 	snop  }
0x4: {  	_ = 	snop  }
0x5: {  	_ = 	snop  }
0x6: {  	_ = 	snop  }
0x7: {  	_ = 	snop  }
__scs_overlays_trampoline_lowered:
0x8: {  	[smem:$0x3FAE] =	sst s0  }
0x9: {  	[smem:$0x3FAF] =	sst s1  }
0xa: {  	[smem:$0x3FB0] =	sst s2  }
0xb: {  	[smem:$0x3FB1] =	sst s3  }
0xc: {  	[smem:$0x3FB2] =	sst s4  }
0xd: {  	[smem:$0x3FB3] =	sst s5  }
0xe: {  	[smem:$0x3FB4] =	sst s6  }
0xf: {  	[smem:$0x3FB5] =	sst s7  }
0x10: {  	[smem:$0x3FB6] =	sst s8  }
0x11: {  	[smem:$0x3FB7] =	sst s9;
	s0 =	simm.s32 @!p0 $0x0  }
0x12: {  	s1 =	sld [smem:$0x3F9D];
	s0 =	simm.s32 @p0 $0x1  }
0x13: {  	[smem:$0x3FB8] =	sst s0;
	s0 =	simm.s32 @!p1 $0x0  }
0x14: {  	s2 =	sld [smem:$0x3F9C];
	s0 =	simm.s32 @p1 $0x1  }
0x15: {  	[smem:$0x3FB9] =	sst s0;
	s0 =	simm.s32 @!p2 $0x0  }
0x16: {  	s3 =	sld [smem:$0x3FDB];
	s0 =	simm.s32 @p2 $0x1  }
0x17: {  	s4 =	simm.s32 $0x1BF5;
	[smem:$0x3FBB] =	sst s0  }
0x18: {  	s0 =	sld [smem:$0x3F9E];
	_ =	swait.ge [sflag:s4], $0x0  }
0x19: {  	s7 =	sld [smem:$0x3F9F]  }
0x1a: {  	s8 =	sadd.s32 $0xFFFFE003, lr  }
0x1b: {  	s9 =	sadd.s32 $0xFFFFFEF7, lr;
	s5 =	simm.s32 $0xFFFFFFFF;
	p2 =	slt.u32 s8, $0xFFFFF086  }
0x1c: {  	p1 =	slt.u32 s9, $0xF7A;
	s5 =	simm.s32 @!p2 $0x0  }
0x1d: {  	s5 =	simm.s32 @p1 $0x1;
	p0 =	seq.s32 s7, s2  }
0x1e: {  	s7 =	smul.u32 @!p0 $0xF7A, s2;
	p2 =	seq.s32 @!p0 s5, $0x0  }
0x1f: {  	s9 =	smul.u32 $0xF7A, s1;
	s8 =	simm.s32 @!p0 $0x1BF5;
	p2 =	por !p2, p0  }
0x20: {  	[sflag:s8] =	ssyncset.s32 @!p0 $0xFFFFF086;
	s6 =	sadd.s32 @!p0 s3, s7;
	s7 =	simm.s32 @!p0 $0x108  }
0x21: {  	s3 =	sadd.s32 s3, s9;
	s6 =	sadd.s32 @!p0 $0x88, s6;
	s7 =	simm.s32 @p2 $0x1082  }
0x22: {  	[simem:s7], [sflag:s8] =	dma.local @!p0 [hbm:s6], $0xF7A  }
0x23: {  	s9 =	sor.u32 $0xD0000000, s2;
	s6 =	simm.s32 $0x108;
	_ =	swait.ge @!p0 [sflag:s8], $0x0  }
0x24: {  	s3 =	sadd.s32 $0x88, s3;
	s6 =	simm.s32 @!p1 $0x1082;
	[sflag:s4] =	ssyncset.s32 $0xFFFFF086  }
0x25: {  	[simem:s6], [sflag:s4] =	dma.local [hbm:s3], $0xF7A  }
0x26: {  	[smem:$0x3F9F] =	sst s1;
	(tag) =	ssettag s2;
	_ =	strace s9  }
0x27: {  	s1 =	sld [smem:$0x3FAF]  }
0x28: {  	s2 =	sld [smem:$0x3FB0]  }
0x29: {  	s4 =	sld [smem:$0x3FB2]  }
0x2a: {  	p0 =	seq.s32 s5, $0x0;
	s5 =	sld [smem:$0x3FB3]  }
0x2b: {  	s6 =	sld [smem:$0x3FB4]  }
0x2c: {  	s7 =	sld [smem:$0x3FB5]  }
0x2d: {  	s3 =	simm.s32 $0x108;
	s8 =	sld [smem:$0x3FB6]  }
0x2e: {  	s3 =	simm.s32 @!p0 $0x1082;
	s9 =	sld [smem:$0x3FB7]  }
0x2f: {  	lr =	sadd.s32 s0, s3;
	s0 =	sld [smem:$0x3FAE]  }
0x30: {  	s3 =	sld [smem:$0x3FB1]  }
0x31: {  	[smem:$0x3FBA] =	sst s10  }
0x32: {  	s10 =	sld [smem:$0x3FB8];
	_ =	sdelay $0x3  }
0x33: {  	p0 =	seq.s32 s10, $0x1;
	s10 =	sld [smem:$0x3FBA];
	_ =	sdelay $0x3  }
0x34: {  	[smem:$0x3FBA] =	sst s10  }
0x35: {  	s10 =	sld [smem:$0x3FB9];
	_ =	sdelay $0x3  }
0x36: {  	p1 =	seq.s32 s10, $0x1;
	s10 =	sld [smem:$0x3FBA];
	_ =	sdelay $0x3  }
0x37: {  	[smem:$0x3FBA] =	sst s10  }
0x38: {  	s10 =	sld [smem:$0x3FBB]  }
0x39: {  	_ = 	snop;
	(pc) =	sbr.ind lr, $3  }
0x3a: {  	_ = 	snop  }
0x3b: {  	_ = 	snop  }
0x3c: {  	p2 =	seq.s32 s10, $0x1;
	s10 =	sld [smem:$0x3FBA]  }
0x3d: {  	_ =	shalt  }
0x3e: {  	_ =	shalt  }
0x3f: {  	_ =	shalt  }
0x40: {  	_ =	shalt  }
0x41: {  	_ =	shalt  }
0x42: {  	_ =	shalt  }
0x43: {  	_ =	shalt  }
0x44: {  	_ =	shalt  }
0x45: {  	_ =	shalt  }
0x46: {  	_ =	shalt  }
0x47: {  	_ =	shalt  }
0x48: {  	_ =	shalt  }
0x49: {  	_ =	shalt  }
0x4a: {  	_ =	shalt  }
0x4b: {  	_ =	shalt  }
0x4c: {  	_ =	shalt  }
0x4d: {  	_ =	shalt  }
0x4e: {  	_ =	shalt  }
0x4f: {  	_ =	shalt  }
0x50: {  	_ =	shalt  }
0x51: {  	_ =	shalt  }
0x52: {  	_ =	shalt  }
0x53: {  	_ =	shalt  }
0x54: {  	_ =	shalt  }
0x55: {  	_ =	shalt  }
0x56: {  	_ =	shalt  }
0x57: {  	_ =	shalt  }
0x58: {  	_ =	shalt  }
0x59: {  	_ =	shalt  }
0x5a: {  	_ =	shalt  }
0x5b: {  	_ =	shalt  }
0x5c: {  	_ =	shalt  }
0x5d: {  	_ =	shalt  }
0x5e: {  	_ =	shalt  }
0x5f: {  	_ =	shalt  }
0x60: {  	_ =	shalt  }
0x61: {  	_ =	shalt  }
0x62: {  	_ =	shalt  }
0x63: {  	_ =	shalt  }
0x64: {  	_ =	shalt  }
0x65: {  	_ =	shalt  }
0x66: {  	_ =	shalt  }
0x67: {  	_ =	shalt  }
0x68: {  	_ =	shalt  }
0x69: {  	_ =	shalt  }
0x6a: {  	_ =	shalt  }
0x6b: {  	_ =	shalt  }
0x6c: {  	_ =	shalt  }
0x6d: {  	_ =	shalt  }
0x6e: {  	_ =	shalt  }
0x6f: {  	_ =	shalt  }
0x70: {  	_ =	shalt  }
0x71: {  	_ =	shalt  }
0x72: {  	_ =	shalt  }
0x73: {  	_ =	shalt  }
0x74: {  	_ =	shalt  }
0x75: {  	_ =	shalt  }
0x76: {  	_ =	shalt  }
0x77: {  	_ =	shalt  }
0x78: {  	_ =	shalt  }
0x79: {  	_ =	shalt  }
0x7a: {  	_ =	shalt  }
0x7b: {  	_ =	shalt  }
0x7c: {  	_ =	shalt  }
0x7d: {  	_ =	shalt  }
0x7e: {  	_ =	shalt  }
0x7f: {  	_ =	shalt  }
0x80: {  	_ =	shalt  }
0x81: {  	_ =	shalt  }
0x82: {  	_ =	shalt  }
0x83: {  	_ =	shalt  }
0x84: {  	_ =	shalt  }
0x85: {  	_ =	shalt  }
0x86: {  	_ =	shalt  }
0x87: {  	_ =	shalt  }
.Lfunc_end0:
.L_simem_size_0:
called_computation.1_lowered:
.L_overlay_start_0:
0x88: {  	s2 =	sld [smem:$0x3FD9]  }
0x89: {  	s3 =	sld [smem:$0x3FFE];
	_ =	sdelay $0x1  }
0x8a: {  	s1 =	srdreg.scid  }
0x8b: {  	s0 =	sand.u32 $0x1, s1  }
0x8c: {  	s17 =	sshll.u32 s0, $0xA;
	s2 =	sadd.s32 s3, s2  }
0x8d: {  	s2 =	sadd.s32 s2, s17  }
0x8e: {  	[smem:$0x3FC6] =	sst s2  }
0x8f: {  	_ = 	snop  }
0x90: {  	s2 =	sld [smem:$0x3FD0];
	(tm) =	ssettm $0x1  }
0x91: {  	s18 =	sld [smem:$0x3FFB];
	_ =	sdelay $0x3  }
0x92: {  	_ =	strace s18  }
0x93: {  	s3 =	sld [smem:$0x3FFC];
	_ =	sdelay $0x3  }
0x94: {  	_ =	strace s3  }
0x95: {  	s3 =	sld [smem:$0x3FFD];
	_ =	sdelay $0x3  }
0x96: {  	_ =	strace s3  }
0x97: {  	_ =	strace $0x8FFFFFFF  }
0x98: {  	s19 =	sld [smem:$0x3FDB];
	_ =	sdelay $0x1  }
0x99: {  	s4 =	simm.s32 $_scs_section_size  }
0x9a: {  	s5 =	simm.s32 $_size__tile_overlayer_lowered;
	s6 =	simm.s32 $_tile_overlayer_lowered  }
0x9b: {  	s22 =	simm.s32 $0x1BFF;
	s21 =	sshll.u32 s6, $0x1;
	s3 =	sadd.s32 s4, s19  }
0x9c: {  	s7 =	simm.s32 $0x0;
	s20 =	sshll.u32 s5, $0x1;
	s5 =	sadd.s32 s21, s3  }
0x9d: {  	[timem:s7], [sflag:s22] =	dma.local [hbm:s5], s20  }
0x9e: {  	_ =	swait.ge [sflag:s22], s20  }
0x9f: {  	s4 =	ssub.s32 $0x0, s20;
	[sflag:s22] =	ssyncset.done $0x0  }
0xa0: {  	[sflag:s22] =	ssyncadd.s32 s4;
	_ =	sdelay $0x1  }
0xa1: {  	s23 =	simm.s32 $0x1B8B  }
0xa2: {  	_ =	swait.ge [sflag:s23], $0x1  }
0xa3: {  	[sflag:s23] =	ssyncset.done $0x0  }
0xa4: {  	s25 =	simm.s32 $0x1B8E;
	s24 =	sld [smem:$0x3FFE];
	[sflag:s23] =	ssyncadd.s32 $0xFFFFFFFF  }
0xa5: {  	s26 =	simm.s32 $execute0_lowered;
	[smem:$0x3FD2] =	sst s25  }
0xa6: {  	s5 =	sshll.u32 s26, $0x1;
	_ =	strace $0x80000046;
	[dreg:$0x1] =	wrdreg $0xFFFFFFFF  }
0xa7: {  	s28 =	simm.s32 $_size_execute0_lowered;
	s3 =	sadd.s32 s3, s5;
	[dreg:$0x0] =	wrdreg $0x0  }
0xa8: {  	s5 =	sshll.u32 s28, $0x1;
	[dreg:$0x2] =	wrdreg s3  }
0xa9: {  	[dreg:$0x3] =	wrdreg s5  }
0xaa: {  	[dreg:$0x4] =	wrdreg $0xC0  }
0xab: {  	_ =	task [dreg:s7], $0x5FFFF  }
0xac: {  	[dreg:$0x1] =	wrdreg $0xFFFFFFFF  }
0xad: {  	[dreg:$0x0] =	wrdreg $0x60  }
0xae: {  	[dreg:$0x2] =	wrdreg s2  }
0xaf: {  	[dreg:$0x3] =	wrdreg s24  }
0xb0: {  	[dreg:$0x4] =	wrdreg $0x9  }
0xb1: {  	_ =	task.clear_ibuf [dreg:s7], $0x5FFFF;
	_ =	strace $0x90000046  }
0xb2: {  	s29 =	simm.s32 $0x9;
	_ =	strace $0x80000048  }
0xb3: {  	_ =	swait.ge [sflag:s29], $0x1  }
0xb4: {  	[sflag:s29] =	ssyncadd.s32 $0xFFFFFFFF  }
0xb5: {  	_ =	strace $0x90000048  }
0xb6: {  	_ =	sfence  }
0xb7: {  	s30 =	sld [smem:$0x0];
	_ =	sdelay $0x2  }
0xb8: {  	s31 =	sshll.u32 s1, $0xD;
	s1 =	sshrl.u32 s1, $0x2  }
0xb9: {  	s3 =	sand.u32 $0x4000, s31;
	s1 =	sadd.s32 s1, s30  }
0xba: {  	s0 =	sor.u32 s3, s0;
	s1 =	sshll.u32 s1, $0x11  }
0xbb: {  	s0 =	sor.u32 s1, s0  }
0xbc: {  	s0 =	sadd.s32 $0x8F2B, s0  }
0xbd: {  	[sflag:s0] =	ssyncadd.remote.s32 $0x1  }
0xbe: {  	_ =	sfence.sel $0xFFFF  }
0xbf: {  	[dreg:$0x0] =	wrdreg $0xFFFFFFFF;
	(pc) =	sbr.abs _section_cstart, $3  }
0xc0: {  	[dreg:$0x1] =	wrdreg $0xFFFFFFFF  }
0xc1: {  	_ =	task.clear_ibuf [dreg:s7], $0x2FFFF;
	_ =	strace $0x9FFFFFFF  }
0xc2: {  	(tm) =	ssettm $0x7FFFFFFF  }
0xc3: {  	_ =	shalt  }
tec
execute0_lowered:
.L_overlay_start_1:
0x0: {  	(tag) =	ssettag $0x1  }
0x1: {  	s5 =	rddreg [dreg:$0x0]  }
0x2: {  	s4 =	rddreg [dreg:$0x1]  }
0x3: {  	s0 =	rddreg [dreg:$0x2]  }
0x4: {  	s3 =	srdreg.scid;
	s1 =	stileid.u32  }
0x5: {  	s2 =	simm.s32 $0x0;
	s10 =	simm.s32 $0x6400;
	s11 =	simm.s32 $0xA400  }
0x6: {  	s12 =	simm.s32 $0x100;
	s13 =	simm.s32 $0xE400;
	s14 =	simm.s32 $0x3  }
0x7: {  	s15 =	simm.s32 $0x16400;
	s16 =	simm.s32 $0x12400;
	s17 =	simm.s32 $0x4  }
0x8: {  	s18 =	simm.s32 $0x5;
	s19 =	simm.s32 $0x2;
	s20 =	simm.s32 $0x1  }
0x9: {  	s21 =	simm.s32 $0x0;
	s3 =	sand.u32 $0x1, s3;
	s6 =	sshll.u32 s1, $0x1  }
.Ltmp0:
0xa: {  	[smem:$0x7FF] =	sst s2;
	s6 =	sor.u32 s3, s6;
	(pc) =	sbr.rel .LBB2_1-.Ltmp0, $4  }
0xb: {  	_ =	strace $0x80000047;
	s7 =	ssub.s32 $0x2, s3;
	s3 =	sadd.s32 $0xF42E00, s4  }
0xc: {  	s4 =	sadd.s32 $0xA00, s4;
	s8 =	smul.u32 $0xC80, s6;
	s9 =	sshrl.u32 s7, $0x1  }
0xd: {  	s6 =	smul.u32 $0x320000, s6;
	s7 =	ssub.s32 s7, s9;
	s9 =	simm.s32 $0x80  }
0xe: {  	s5 =	sadd.s32 s5, s8;
	s7 =	smax.u32 s7, $0x1;
	s8 =	simm.s32 $0x6  }
.LBB2_26:
0xf: {  	s21 =	sadd.s32 $0x1, s21  }
0x10: {  	_ =	swait.ge [sflag:s17], $0x4000;
	p0 =	sne.s32 s21, s7  }
.Ltmp1:
0x11: {  	[sflag:s17] =	ssyncset.done $0x0;
	(pc) =	sbr.rel @!p0 .LBB2_27-.Ltmp1, $4  }
0x12: {  	[sflag:s17] =	ssyncadd.s32 $0xFFFFC000  }
0x13: {  	_ =	swait.ge [sflag:s18], $0x4000  }
0x14: {  	[sflag:s18] =	ssyncset.done $0x0  }
0x15: {  	[sflag:s18] =	ssyncadd.s32 $0xFFFFC000  }
.LBB2_1:
0x16: {  	[tilespmem:s2], [sflag:$0x6] =	stream.linear.gather [hbm4b:s5+s2], $0x6400, $0x38;
	[tilespmem:$0x1A400] =	vst v63  }
0x17: {  	_ =	swait.ge [sflag:s8], $0x6400  }
0x18: {  	[sflag:s8] =	ssyncset.done $0x0  }
0x19: {  	[sflag:s8] =	ssyncadd.s32 $0xFFFF9C00  }
0x1a: {  	[tilespmem:s10], [sflag:$0x1] =	stream.indirect.gather [hbm4b:s3+s9], $0x80, s2, s9, $0xb8;
	[tilespmem:$0x1A400] =	vst v63  }
.Ltmp2:
0x1b: {  	_ = 	snop;
	(pc) =	sbr.rel .LBB2_2-.Ltmp2, $4  }
0x1c: {  	_ = 	snop  }
0x1d: {  	[tilespmem:s11], [sflag:$0x2] =	stream.indirect.gather [hbm4b:s3+s9], $0x80, s9, s9, $0xb8;
	[tilespmem:$0x1A400] =	vst v63  }
0x1e: {  	s22 =	simm.s32 $0x0  }
0x1f: {  	[tilespmem:s13], [sflag:$0x3] =	stream.indirect.gather [hbm4b:s3+s9], $0x80, s12, s9, $0xb8;
	[tilespmem:$0x1A400] =	vst v63  }
.LBB2_25:
0x20: {  	s22 =	sadd.s32 $0x1, s22  }
0x21: {  	p0 =	sne.s32 s22, $0xC8  }
.Ltmp3:
0x22: {  	_ = 	snop;
	(pc) =	sbr.rel @!p0 .LBB2_26-.Ltmp3, $1  }
0x23: {  	_ =	sdelay $0x3  }
.LBB2_2:
0x24: {  	s23 =	smul.u32 $0xAB, s22;
	_ =	sdelay $0x1  }
0x25: {  	s23 =	sshrl.u32 s23, $0x9  }
0x26: {  	s23 =	sand.u32 $0x7F, s23  }
0x27: {  	s23 =	smul.u32 $0x3, s23;
	_ =	sdelay $0x1  }
0x28: {  	s23 =	ssub.s32 s22, s23  }
0x29: {  	s23 =	sand.u32 $0xFF, s23  }
0x2a: {  	p1 =	seq.s32 s23, $0x2  }
.Ltmp4:
0x2b: {  	_ = 	snop;
	(pc) =	sbr.rel @p1 .LBB2_18-.Ltmp4, $3  }
0x2c: {  	_ =	sdelay $0x1  }
0x2d: {  	s24 =	sand.u32 $0x1, s22  }
0x2e: {  	p0 =	seq.s32 s24, $0x1  }
0x2f: {  	p1 =	seq.s32 s23, $0x1  }
.Ltmp5:
0x30: {  	_ = 	snop;
	(pc) =	sbr.rel @!p1 .LBB2_4-.Ltmp5, $1  }
0x31: {  	_ =	sdelay $0x3  }
.Ltmp6:
0x32: {  	(pc) =	sbr.rel @!p0 .LBB2_12-.Ltmp6, $4  }
0x33: {  	_ = 	snop  }
0x34: {  	_ =	swait.ge [sflag:s19], $0x4000  }
0x35: {  	[sflag:s19] =	ssyncset.done $0x0  }
0x36: {  	[sflag:s19] =	ssyncadd.s32 $0xFFFFC000  }
0x37: {  	p0 =	slt.u32 s22, $0x2  }
0x38: {  	s23 =	simm.s32 @!p0 $0x5  }
0x39: {  	_ =	swait.ge @!p0 [sflag:s23], $0x4000  }
0x3a: {  	[sflag:s23] =	ssyncset.done @!p0 $0x0  }
0x3b: {  	s29 =	simm.s32 $0xA500;
	[sflag:s23] =	ssyncadd.s32 @!p0 $0xFFFFC000  }
0x3c: {  	v0 =	vld [tilespmem:s29+$0x80];
	_ =	sdelay $0x3  }
0x3d: {  	v1 =	vld [tilespmem:s29+$0xFFFFFF00]  }
0x3e: {  	v2 =	vld [tilespmem:s29+$0xFFFFFF80];
	v0 =	vmul.f32 $8.000000000e+00, v0  }
0x3f: {  	s23 =	simm.s32 $0x16500;
	v3 =	vld [tilespmem:s29+$0x0]  }
0x40: {  	[tilespmem:s23+$0x80] =	vst v0  }
0x41: {  	v0 =	vld [tilespmem:s29+$0x90]  }
0x42: {  	v1 =	vmul.f32 $8.000000000e+00, v1  }
0x43: {  	v2 =	vmul.f32 $8.000000000e+00, v2  }
0x44: {  	v3 =	vmul.f32 $8.000000000e+00, v3;
	[tilespmem:s23+$0xFFFFFF00] =	vst v1  }
0x45: {  	[tilespmem:s23+$0xFFFFFF80] =	vst v2;
	v1 =	vld [tilespmem:s29+$0xFFFFFF10]  }
0x46: {  	[tilespmem:s23+$0x0] =	vst v3;
	v2 =	vld [tilespmem:s29+$0xFFFFFF90];
	v0 =	vmul.f32 $8.000000000e+00, v0  }
0x47: {  	s24 =	simm.s32 $0xA700;
	v3 =	vld [tilespmem:s29+$0x10]  }
0x48: {  	[tilespmem:s23+$0x90] =	vst v0;
	v0 =	vld [tilespmem:s24+$0x80]  }
0x49: {  	v4 =	vld [tilespmem:s29+$0xA0]  }
0x4a: {  	v5 =	vld [tilespmem:s24+$0xFFFFFF80];
	v1 =	vmul.f32 $8.000000000e+00, v1  }
0x4b: {  	v6 =	vld [tilespmem:s24+$0x0];
	v2 =	vmul.f32 $8.000000000e+00, v2  }
0x4c: {  	v3 =	vmul.f32 $8.000000000e+00, v3;
	[tilespmem:s23+$0xFFFFFF10] =	vst v1;
	v1 =	vld [tilespmem:s24+$0xFFFFFF00]  }
0x4d: {  	[tilespmem:s23+$0xFFFFFF90] =	vst v2;
	v2 =	vld [tilespmem:s29+$0xFFFFFF20];
	v0 =	vmul.f32 $8.000000000e+00, v0  }
0x4e: {  	s25 =	simm.s32 $0x16700;
	[tilespmem:s23+$0x10] =	vst v3;
	v7 =	vld [tilespmem:s29+$0xFFFFFFA0];
	v3 =	vmul.f32 $8.000000000e+00, v4  }
0x4f: {  	v4 =	vmul.f32 $8.000000000e+00, v5;
	[tilespmem:s25+$0x80] =	vst v0;
	v0 =	vld [tilespmem:s29+$0x20]  }
0x50: {  	v5 =	vmul.f32 $8.000000000e+00, v6;
	v6 =	vld [tilespmem:s24+$0x90];
	[tilespmem:s23+$0xA0] =	vst v3  }
0x51: {  	v1 =	vmul.f32 $8.000000000e+00, v1;
	[tilespmem:s25+$0xFFFFFF80] =	vst v4;
	v8 =	vld [tilespmem:s29+$0xB0]  }
0x52: {  	v2 =	vmul.f32 $8.000000000e+00, v2;
	[tilespmem:s25+$0x0] =	vst v5;
	v9 =	vld [tilespmem:s24+$0xFFFFFF90]  }
0x53: {  	[tilespmem:s25+$0xFFFFFF00] =	vst v1;
	v5 =	vmul.f32 $8.000000000e+00, v7;
	v3 =	vld [tilespmem:s24+$0x10]  }
0x54: {  	v4 =	vld [tilespmem:s24+$0xFFFFFF10];
	[tilespmem:s23+$0xFFFFFF20] =	vst v2;
	v2 =	vmul.f32 $8.000000000e+00, v0  }
0x55: {  	v1 =	vld [tilespmem:s29+$0xFFFFFF30];
	[tilespmem:s23+$0xFFFFFFA0] =	vst v5;
	v7 =	vmul.f32 $8.000000000e+00, v6  }
0x56: {  	v0 =	vld [tilespmem:s29+$0xFFFFFFB0];
	[tilespmem:s23+$0x20] =	vst v2;
	v5 =	vmul.f32 $8.000000000e+00, v8  }
0x57: {  	s26 =	simm.s32 $0x4;
	s28 =	simm.s32 $0xA900;
	v6 =	vmul.f32 $8.000000000e+00, v9;
	[tilespmem:s25+$0x90] =	vst v7;
	v2 =	vld [tilespmem:s29+$0x30]  }
.LBB2_16:
0x58: {  	v7 =	vld [tilespmem:s28+$0x80];
	v3 =	vmul.f32 $8.000000000e+00, v3;
	[tilespmem:s23+$0xB0] =	vst v5  }
0x59: {  	s26 =	sadd.s32 $0x4, s26;
	v4 =	vmul.f32 $8.000000000e+00, v4;
	[tilespmem:s25+$0xFFFFFF90] =	vst v6;
	v5 =	vld [tilespmem:s24+$0xA0]  }
0x5a: {  	p0 =	slt.u32 s26, $0x7C;
	v6 =	vld [tilespmem:s28+$0xFFFFFF80];
	[tilespmem:s25+$0x10] =	vst v3;
	v1 =	vmul.f32 $8.000000000e+00, v1  }
0x5b: {  	v3 =	vld [tilespmem:s28+$0x0];
	[tilespmem:s25+$0xFFFFFF10] =	vst v4;
	v0 =	vmul.f32 $8.000000000e+00, v0  }
0x5c: {  	v4 =	vld [tilespmem:s28+$0xFFFFFF00];
	[tilespmem:s23+$0xFFFFFF30] =	vst v1;
	v1 =	vmul.f32 $8.000000000e+00, v2  }
0x5d: {  	v2 =	vmul.f32 $8.000000000e+00, v7;
	v7 =	vld [tilespmem:s24+$0xFFFFFF20];
	[tilespmem:s23+$0xFFFFFFB0] =	vst v0  }
0x5e: {  	v0 =	vld [tilespmem:s24+$0xFFFFFFA0];
	v5 =	vmul.f32 $8.000000000e+00, v5;
	[tilespmem:s23+$0x30] =	vst v1;
	s23 =	smov.u32 s25;
	s25 =	sadd.s32 $0x200, s25  }
0x5f: {  	v1 =	vmul.f32 $8.000000000e+00, v6;
	[tilespmem:s25+$0x80] =	vst v2;
	v2 =	vld [tilespmem:s24+$0x20]  }
0x60: {  	v3 =	vmul.f32 $8.000000000e+00, v3;
	v6 =	vld [tilespmem:s28+$0x90];
	[tilespmem:s23+$0xA0] =	vst v5  }
0x61: {  	v4 =	vmul.f32 $8.000000000e+00, v4;
	[tilespmem:s25+$0xFFFFFF80] =	vst v1;
	v5 =	vld [tilespmem:s24+$0xB0]  }
0x62: {  	v8 =	vld [tilespmem:s28+$0xFFFFFF90];
	[tilespmem:s25+$0x0] =	vst v3;
	v1 =	vmul.f32 $8.000000000e+00, v7  }
.Ltmp7:
0x63: {  	[tilespmem:s25+$0xFFFFFF00] =	vst v4;
	v3 =	vld [tilespmem:s28+$0x10];
	v0 =	vmul.f32 $8.000000000e+00, v0;
	(pc) =	sbr.rel @p0 .LBB2_16-.Ltmp7, $4  }
0x64: {  	v4 =	vld [tilespmem:s28+$0xFFFFFF10];
	[tilespmem:s23+$0xFFFFFF20] =	vst v1;
	v2 =	vmul.f32 $8.000000000e+00, v2  }
0x65: {  	v7 =	vmul.f32 $8.000000000e+00, v6;
	v1 =	vld [tilespmem:s24+$0xFFFFFF30];
	[tilespmem:s23+$0xFFFFFFA0] =	vst v0  }
0x66: {  	v0 =	vld [tilespmem:s24+$0xFFFFFFB0];
	[tilespmem:s23+$0x20] =	vst v2;
	v5 =	vmul.f32 $8.000000000e+00, v5  }
0x67: {  	v6 =	vmul.f32 $8.000000000e+00, v8;
	[tilespmem:s25+$0x90] =	vst v7;
	v2 =	vld [tilespmem:s24+$0x30];
	s24 =	smov.u32 s28;
	s28 =	sadd.s32 $0x200, s28  }
0x68: {  	v3 =	vmul.f32 $8.000000000e+00, v3  }
0x69: {  	v7 =	vld [tilespmem:s24+$0xA0];
	v4 =	vmul.f32 $8.000000000e+00, v4;
	[tilespmem:s25+$0xFFFFFF90] =	vst v6  }
0x6a: {  	[tilespmem:s25+$0x10] =	vst v3;
	v53 =	vld [tilespmem:s24+$0xFFFFFFA0]  }
0x6b: {  	[tilespmem:s25+$0xFFFFFF10] =	vst v4;
	v54 =	vld [tilespmem:s24+$0x20]  }
0x6c: {  	v4 =	vld [tilespmem:s24+$0xFFFFFF20];
	_ =	sdelay $0x1  }
0x6d: {  	v7 =	vmul.f32 $8.000000000e+00, v7  }
0x6e: {  	v3 =	vmul.f32 $8.000000000e+00, v53  }
0x6f: {  	[tilespmem:s25+$0xA0] =	vst v7;
	v6 =	vmul.f32 $8.000000000e+00, v54  }
0x70: {  	v55 =	vld [tilespmem:s24+$0xB0];
	v4 =	vmul.f32 $8.000000000e+00, v4;
	[tilespmem:s25+$0xFFFFFFA0] =	vst v3  }
0x71: {  	[tilespmem:s25+$0x20] =	vst v6;
	v57 =	vld [tilespmem:s24+$0xFFFFFFB0]  }
0x72: {  	v1 =	vmul.f32 $8.000000000e+00, v1;
	[tilespmem:s25+$0xFFFFFF20] =	vst v4;
	v58 =	vld [tilespmem:s24+$0x30]  }
0x73: {  	[tilespmem:s23+$0xB0] =	vst v5;
	v0 =	vmul.f32 $8.000000000e+00, v0;
	v56 =	vld [tilespmem:s24+$0xFFFFFF30]  }
0x74: {  	[tilespmem:s23+$0xFFFFFF30] =	vst v1;
	v59 =	vmul.f32 $8.000000000e+00, v2  }
0x75: {  	[tilespmem:s23+$0xFFFFFFB0] =	vst v0;
	v60 =	vmul.f32 $8.000000000e+00, v55  }
0x76: {  	[tilespmem:s23+$0x30] =	vst v59;
	v62 =	vmul.f32 $8.000000000e+00, v57  }
0x77: {  	s31 =	sshll.u32 s22, $0xE;
	[tilespmem:s25+$0xB0] =	vst v60;
	v63 =	vmul.f32 $8.000000000e+00, v58  }
0x78: {  	s23 =	sadd.s32 s6, s31;
	v61 =	vmul.f32 $8.000000000e+00, v56;
	[tilespmem:s25+$0xFFFFFFB0] =	vst v62  }
0x79: {  	s23 =	sshrl.u32 s23, $0x3;
	[tilespmem:s25+$0x30] =	vst v63  }
0x7a: {  	s23 =	sadd.s32 s4, s23;
	[tilespmem:s25+$0xFFFFFF30] =	vst v61  }
0x7b: {  	[hbm4b:s23+s2] =	stream.linear.scatter [tilespmem:s15], [sflag:$0x5], $0x4000, $0x38;
	[tilespmem:$0x1A400] =	vst v63  }
.Ltmp8:
0x7c: {  	p0 =	sgt.u32 s22, $0xC4;
	(pc) =	sbr.rel .LBB2_25-.Ltmp8, $4  }
0x7d: {  	s23 =	sshll.u32 @!p0 s22, $0x7  }
0x7e: {  	s23 =	sand.u32 @!p0 $0x3FFFFF80, s23  }
0x7f: {  	s24 =	simm.s32 @!p0 $0x80;
	s25 =	simm.s32 @!p0 $0xA400;
	s23 =	sadd.s32 @!p0 $0x180, s23  }
0x80: {  	[tilespmem:s25], [sflag:$0x2] =	stream.indirect.gather @!p0 [hbm4b:s3+s24], $0x80, s23, s24, $0xb8;
	[tilespmem:$0x1A400] =	vst v63  }
.LBB2_18:
.Ltmp9:
0x81: {  	(pc) =	sbr.rel @!p0 .LBB2_19-.Ltmp9, $4  }
0x82: {  	_ = 	snop  }
0x83: {  	_ =	swait.ge [sflag:s14], $0x4000  }
0x84: {  	[sflag:s14] =	ssyncset.done $0x0  }
0x85: {  	[sflag:s14] =	ssyncadd.s32 $0xFFFFC000  }
0x86: {  	p0 =	slt.u32 s22, $0x2  }
0x87: {  	s23 =	simm.s32 @!p0 $0x5  }
0x88: {  	_ =	swait.ge @!p0 [sflag:s23], $0x4000  }
0x89: {  	[sflag:s23] =	ssyncset.done @!p0 $0x0  }
0x8a: {  	s29 =	simm.s32 $0xE500;
	[sflag:s23] =	ssyncadd.s32 @!p0 $0xFFFFC000  }
0x8b: {  	v0 =	vld [tilespmem:s29+$0x80];
	_ =	sdelay $0x3  }
0x8c: {  	v1 =	vld [tilespmem:s29+$0xFFFFFF00]  }
0x8d: {  	v2 =	vld [tilespmem:s29+$0xFFFFFF80];
	v0 =	vmul.f32 $8.000000000e+00, v0  }
0x8e: {  	s23 =	simm.s32 $0x16500;
	v3 =	vld [tilespmem:s29+$0x0]  }
0x8f: {  	[tilespmem:s23+$0x80] =	vst v0  }
0x90: {  	v0 =	vld [tilespmem:s29+$0x90]  }
0x91: {  	v1 =	vmul.f32 $8.000000000e+00, v1  }
0x92: {  	v2 =	vmul.f32 $8.000000000e+00, v2  }
0x93: {  	v3 =	vmul.f32 $8.000000000e+00, v3;
	[tilespmem:s23+$0xFFFFFF00] =	vst v1  }
0x94: {  	[tilespmem:s23+$0xFFFFFF80] =	vst v2;
	v1 =	vld [tilespmem:s29+$0xFFFFFF10]  }
0x95: {  	[tilespmem:s23+$0x0] =	vst v3;
	v2 =	vld [tilespmem:s29+$0xFFFFFF90];
	v0 =	vmul.f32 $8.000000000e+00, v0  }
0x96: {  	s24 =	simm.s32 $0xE700;
	v3 =	vld [tilespmem:s29+$0x10]  }
0x97: {  	[tilespmem:s23+$0x90] =	vst v0;
	v0 =	vld [tilespmem:s24+$0x80]  }
0x98: {  	v4 =	vld [tilespmem:s29+$0xA0]  }
0x99: {  	v5 =	vld [tilespmem:s24+$0xFFFFFF80];
	v1 =	vmul.f32 $8.000000000e+00, v1  }
0x9a: {  	v6 =	vld [tilespmem:s24+$0x0];
	v2 =	vmul.f32 $8.000000000e+00, v2  }
0x9b: {  	v3 =	vmul.f32 $8.000000000e+00, v3;
	[tilespmem:s23+$0xFFFFFF10] =	vst v1;
	v1 =	vld [tilespmem:s24+$0xFFFFFF00]  }
0x9c: {  	[tilespmem:s23+$0xFFFFFF90] =	vst v2;
	v2 =	vld [tilespmem:s29+$0xFFFFFF20];
	v0 =	vmul.f32 $8.000000000e+00, v0  }
0x9d: {  	s25 =	simm.s32 $0x16700;
	[tilespmem:s23+$0x10] =	vst v3;
	v7 =	vld [tilespmem:s29+$0xFFFFFFA0];
	v3 =	vmul.f32 $8.000000000e+00, v4  }
0x9e: {  	v4 =	vmul.f32 $8.000000000e+00, v5;
	[tilespmem:s25+$0x80] =	vst v0;
	v0 =	vld [tilespmem:s29+$0x20]  }
0x9f: {  	v5 =	vmul.f32 $8.000000000e+00, v6;
	v6 =	vld [tilespmem:s24+$0x90];
	[tilespmem:s23+$0xA0] =	vst v3  }
0xa0: {  	v1 =	vmul.f32 $8.000000000e+00, v1;
	[tilespmem:s25+$0xFFFFFF80] =	vst v4;
	v8 =	vld [tilespmem:s29+$0xB0]  }
0xa1: {  	v2 =	vmul.f32 $8.000000000e+00, v2;
	[tilespmem:s25+$0x0] =	vst v5;
	v9 =	vld [tilespmem:s24+$0xFFFFFF90]  }
0xa2: {  	[tilespmem:s25+$0xFFFFFF00] =	vst v1;
	v5 =	vmul.f32 $8.000000000e+00, v7;
	v3 =	vld [tilespmem:s24+$0x10]  }
0xa3: {  	v4 =	vld [tilespmem:s24+$0xFFFFFF10];
	[tilespmem:s23+$0xFFFFFF20] =	vst v2;
	v2 =	vmul.f32 $8.000000000e+00, v0  }
0xa4: {  	v1 =	vld [tilespmem:s29+$0xFFFFFF30];
	[tilespmem:s23+$0xFFFFFFA0] =	vst v5;
	v7 =	vmul.f32 $8.000000000e+00, v6  }
0xa5: {  	v0 =	vld [tilespmem:s29+$0xFFFFFFB0];
	[tilespmem:s23+$0x20] =	vst v2;
	v5 =	vmul.f32 $8.000000000e+00, v8  }
0xa6: {  	s26 =	simm.s32 $0x4;
	s28 =	simm.s32 $0xE900;
	v6 =	vmul.f32 $8.000000000e+00, v9;
	[tilespmem:s25+$0x90] =	vst v7;
	v2 =	vld [tilespmem:s29+$0x30]  }
.LBB2_23:
0xa7: {  	v7 =	vld [tilespmem:s28+$0x80];
	v3 =	vmul.f32 $8.000000000e+00, v3;
	[tilespmem:s23+$0xB0] =	vst v5  }
0xa8: {  	s26 =	sadd.s32 $0x4, s26;
	v4 =	vmul.f32 $8.000000000e+00, v4;
	[tilespmem:s25+$0xFFFFFF90] =	vst v6;
	v5 =	vld [tilespmem:s24+$0xA0]  }
0xa9: {  	p0 =	slt.u32 s26, $0x7C;
	v6 =	vld [tilespmem:s28+$0xFFFFFF80];
	[tilespmem:s25+$0x10] =	vst v3;
	v1 =	vmul.f32 $8.000000000e+00, v1  }
0xaa: {  	v3 =	vld [tilespmem:s28+$0x0];
	[tilespmem:s25+$0xFFFFFF10] =	vst v4;
	v0 =	vmul.f32 $8.000000000e+00, v0  }
0xab: {  	v4 =	vld [tilespmem:s28+$0xFFFFFF00];
	[tilespmem:s23+$0xFFFFFF30] =	vst v1;
	v1 =	vmul.f32 $8.000000000e+00, v2  }
0xac: {  	v2 =	vmul.f32 $8.000000000e+00, v7;
	v7 =	vld [tilespmem:s24+$0xFFFFFF20];
	[tilespmem:s23+$0xFFFFFFB0] =	vst v0  }
0xad: {  	v0 =	vld [tilespmem:s24+$0xFFFFFFA0];
	v5 =	vmul.f32 $8.000000000e+00, v5;
	[tilespmem:s23+$0x30] =	vst v1;
	s23 =	smov.u32 s25;
	s25 =	sadd.s32 $0x200, s25  }
0xae: {  	v1 =	vmul.f32 $8.000000000e+00, v6;
	[tilespmem:s25+$0x80] =	vst v2;
	v2 =	vld [tilespmem:s24+$0x20]  }
0xaf: {  	v3 =	vmul.f32 $8.000000000e+00, v3;
	v6 =	vld [tilespmem:s28+$0x90];
	[tilespmem:s23+$0xA0] =	vst v5  }
0xb0: {  	v4 =	vmul.f32 $8.000000000e+00, v4;
	[tilespmem:s25+$0xFFFFFF80] =	vst v1;
	v5 =	vld [tilespmem:s24+$0xB0]  }
0xb1: {  	v8 =	vld [tilespmem:s28+$0xFFFFFF90];
	[tilespmem:s25+$0x0] =	vst v3;
	v1 =	vmul.f32 $8.000000000e+00, v7  }
.Ltmp10:
0xb2: {  	[tilespmem:s25+$0xFFFFFF00] =	vst v4;
	v3 =	vld [tilespmem:s28+$0x10];
	v0 =	vmul.f32 $8.000000000e+00, v0;
	(pc) =	sbr.rel @p0 .LBB2_23-.Ltmp10, $4  }
0xb3: {  	v4 =	vld [tilespmem:s28+$0xFFFFFF10];
	[tilespmem:s23+$0xFFFFFF20] =	vst v1;
	v2 =	vmul.f32 $8.000000000e+00, v2  }
0xb4: {  	v7 =	vmul.f32 $8.000000000e+00, v6;
	v1 =	vld [tilespmem:s24+$0xFFFFFF30];
	[tilespmem:s23+$0xFFFFFFA0] =	vst v0  }
0xb5: {  	v0 =	vld [tilespmem:s24+$0xFFFFFFB0];
	[tilespmem:s23+$0x20] =	vst v2;
	v5 =	vmul.f32 $8.000000000e+00, v5  }
0xb6: {  	v6 =	vmul.f32 $8.000000000e+00, v8;
	[tilespmem:s25+$0x90] =	vst v7;
	v2 =	vld [tilespmem:s24+$0x30];
	s24 =	smov.u32 s28;
	s28 =	sadd.s32 $0x200, s28  }
0xb7: {  	v3 =	vmul.f32 $8.000000000e+00, v3  }
0xb8: {  	v7 =	vld [tilespmem:s24+$0xA0];
	v4 =	vmul.f32 $8.000000000e+00, v4;
	[tilespmem:s25+$0xFFFFFF90] =	vst v6  }
0xb9: {  	[tilespmem:s25+$0x10] =	vst v3;
	v53 =	vld [tilespmem:s24+$0xFFFFFFA0]  }
0xba: {  	[tilespmem:s25+$0xFFFFFF10] =	vst v4;
	v54 =	vld [tilespmem:s24+$0x20]  }
0xbb: {  	v4 =	vld [tilespmem:s24+$0xFFFFFF20];
	_ =	sdelay $0x1  }
0xbc: {  	v7 =	vmul.f32 $8.000000000e+00, v7  }
0xbd: {  	v3 =	vmul.f32 $8.000000000e+00, v53  }
0xbe: {  	[tilespmem:s25+$0xA0] =	vst v7;
	v6 =	vmul.f32 $8.000000000e+00, v54  }
0xbf: {  	v55 =	vld [tilespmem:s24+$0xB0];
	v4 =	vmul.f32 $8.000000000e+00, v4;
	[tilespmem:s25+$0xFFFFFFA0] =	vst v3  }
0xc0: {  	[tilespmem:s25+$0x20] =	vst v6;
	v57 =	vld [tilespmem:s24+$0xFFFFFFB0]  }
0xc1: {  	v1 =	vmul.f32 $8.000000000e+00, v1;
	[tilespmem:s25+$0xFFFFFF20] =	vst v4;
	v58 =	vld [tilespmem:s24+$0x30]  }
0xc2: {  	[tilespmem:s23+$0xB0] =	vst v5;
	v0 =	vmul.f32 $8.000000000e+00, v0;
	v56 =	vld [tilespmem:s24+$0xFFFFFF30]  }
0xc3: {  	[tilespmem:s23+$0xFFFFFF30] =	vst v1;
	v59 =	vmul.f32 $8.000000000e+00, v2  }
0xc4: {  	[tilespmem:s23+$0xFFFFFFB0] =	vst v0;
	v60 =	vmul.f32 $8.000000000e+00, v55  }
0xc5: {  	[tilespmem:s23+$0x30] =	vst v59;
	v62 =	vmul.f32 $8.000000000e+00, v57  }
0xc6: {  	s31 =	sshll.u32 s22, $0xE;
	[tilespmem:s25+$0xB0] =	vst v60;
	v63 =	vmul.f32 $8.000000000e+00, v58  }
0xc7: {  	s23 =	sadd.s32 s6, s31;
	v61 =	vmul.f32 $8.000000000e+00, v56;
	[tilespmem:s25+$0xFFFFFFB0] =	vst v62  }
0xc8: {  	s23 =	sshrl.u32 s23, $0x3;
	[tilespmem:s25+$0x30] =	vst v63  }
0xc9: {  	s23 =	sadd.s32 s4, s23;
	[tilespmem:s25+$0xFFFFFF30] =	vst v61  }
0xca: {  	[hbm4b:s23+s2] =	stream.linear.scatter [tilespmem:s15], [sflag:$0x5], $0x4000, $0x38;
	[tilespmem:$0x1A400] =	vst v63  }
.Ltmp11:
0xcb: {  	p0 =	sgt.u32 s22, $0xC4;
	(pc) =	sbr.rel .LBB2_25-.Ltmp11, $4  }
0xcc: {  	s23 =	sshll.u32 @!p0 s22, $0x7  }
0xcd: {  	s23 =	sand.u32 @!p0 $0x3FFFFF80, s23  }
0xce: {  	s24 =	simm.s32 @!p0 $0x80;
	s25 =	simm.s32 @!p0 $0xE400;
	s23 =	sadd.s32 @!p0 $0x180, s23  }
0xcf: {  	[tilespmem:s25], [sflag:$0x3] =	stream.indirect.gather @!p0 [hbm4b:s3+s24], $0x80, s23, s24, $0xb8;
	[tilespmem:$0x1A400] =	vst v63  }
.LBB2_4:
.Ltmp12:
0xd0: {  	(pc) =	sbr.rel @!p0 .LBB2_5-.Ltmp12, $4  }
0xd1: {  	_ = 	snop  }
0xd2: {  	_ =	swait.ge [sflag:s20], $0x4000  }
0xd3: {  	[sflag:s20] =	ssyncset.done $0x0  }
0xd4: {  	p1 =	slt.u32 s22, $0x2;
	[sflag:s20] =	ssyncadd.s32 $0xFFFFC000  }
0xd5: {  	s23 =	simm.s32 @!p1 $0x5  }
0xd6: {  	_ =	swait.ge @!p1 [sflag:s23], $0x4000  }
0xd7: {  	[sflag:s23] =	ssyncset.done @!p1 $0x0  }
0xd8: {  	s29 =	simm.s32 $0x6500;
	[sflag:s23] =	ssyncadd.s32 @!p1 $0xFFFFC000  }
0xd9: {  	v0 =	vld [tilespmem:s29+$0x80];
	_ =	sdelay $0x3  }
0xda: {  	v1 =	vld [tilespmem:s29+$0xFFFFFF00]  }
0xdb: {  	v2 =	vld [tilespmem:s29+$0xFFFFFF80];
	v0 =	vmul.f32 $8.000000000e+00, v0  }
0xdc: {  	s23 =	simm.s32 $0x16500;
	v3 =	vld [tilespmem:s29+$0x0]  }
0xdd: {  	[tilespmem:s23+$0x80] =	vst v0  }
0xde: {  	v0 =	vld [tilespmem:s29+$0x90]  }
0xdf: {  	v1 =	vmul.f32 $8.000000000e+00, v1  }
0xe0: {  	v2 =	vmul.f32 $8.000000000e+00, v2  }
0xe1: {  	v3 =	vmul.f32 $8.000000000e+00, v3;
	[tilespmem:s23+$0xFFFFFF00] =	vst v1  }
0xe2: {  	[tilespmem:s23+$0xFFFFFF80] =	vst v2;
	v1 =	vld [tilespmem:s29+$0xFFFFFF10]  }
0xe3: {  	[tilespmem:s23+$0x0] =	vst v3;
	v2 =	vld [tilespmem:s29+$0xFFFFFF90];
	v0 =	vmul.f32 $8.000000000e+00, v0  }
0xe4: {  	s24 =	simm.s32 $0x6700;
	v3 =	vld [tilespmem:s29+$0x10]  }
0xe5: {  	[tilespmem:s23+$0x90] =	vst v0;
	v0 =	vld [tilespmem:s24+$0x80]  }
0xe6: {  	v4 =	vld [tilespmem:s29+$0xA0]  }
0xe7: {  	v5 =	vld [tilespmem:s24+$0xFFFFFF80];
	v1 =	vmul.f32 $8.000000000e+00, v1  }
0xe8: {  	v6 =	vld [tilespmem:s24+$0x0];
	v2 =	vmul.f32 $8.000000000e+00, v2  }
0xe9: {  	v3 =	vmul.f32 $8.000000000e+00, v3;
	[tilespmem:s23+$0xFFFFFF10] =	vst v1;
	v1 =	vld [tilespmem:s24+$0xFFFFFF00]  }
0xea: {  	[tilespmem:s23+$0xFFFFFF90] =	vst v2;
	v2 =	vld [tilespmem:s29+$0xFFFFFF20];
	v0 =	vmul.f32 $8.000000000e+00, v0  }
0xeb: {  	s25 =	simm.s32 $0x16700;
	[tilespmem:s23+$0x10] =	vst v3;
	v7 =	vld [tilespmem:s29+$0xFFFFFFA0];
	v3 =	vmul.f32 $8.000000000e+00, v4  }
0xec: {  	v4 =	vmul.f32 $8.000000000e+00, v5;
	[tilespmem:s25+$0x80] =	vst v0;
	v0 =	vld [tilespmem:s29+$0x20]  }
0xed: {  	v5 =	vmul.f32 $8.000000000e+00, v6;
	v6 =	vld [tilespmem:s24+$0x90];
	[tilespmem:s23+$0xA0] =	vst v3  }
0xee: {  	v1 =	vmul.f32 $8.000000000e+00, v1;
	[tilespmem:s25+$0xFFFFFF80] =	vst v4;
	v8 =	vld [tilespmem:s29+$0xB0]  }
0xef: {  	v2 =	vmul.f32 $8.000000000e+00, v2;
	[tilespmem:s25+$0x0] =	vst v5;
	v9 =	vld [tilespmem:s24+$0xFFFFFF90]  }
0xf0: {  	[tilespmem:s25+$0xFFFFFF00] =	vst v1;
	v5 =	vmul.f32 $8.000000000e+00, v7;
	v3 =	vld [tilespmem:s24+$0x10]  }
0xf1: {  	v4 =	vld [tilespmem:s24+$0xFFFFFF10];
	[tilespmem:s23+$0xFFFFFF20] =	vst v2;
	v2 =	vmul.f32 $8.000000000e+00, v0  }
0xf2: {  	v1 =	vld [tilespmem:s29+$0xFFFFFF30];
	[tilespmem:s23+$0xFFFFFFA0] =	vst v5;
	v7 =	vmul.f32 $8.000000000e+00, v6  }
0xf3: {  	v0 =	vld [tilespmem:s29+$0xFFFFFFB0];
	[tilespmem:s23+$0x20] =	vst v2;
	v5 =	vmul.f32 $8.000000000e+00, v8  }
0xf4: {  	s26 =	simm.s32 $0x4;
	s28 =	simm.s32 $0x6900;
	v6 =	vmul.f32 $8.000000000e+00, v9;
	[tilespmem:s25+$0x90] =	vst v7;
	v2 =	vld [tilespmem:s29+$0x30]  }
.LBB2_9:
0xf5: {  	v7 =	vld [tilespmem:s28+$0x80];
	v3 =	vmul.f32 $8.000000000e+00, v3;
	[tilespmem:s23+$0xB0] =	vst v5  }
0xf6: {  	s26 =	sadd.s32 $0x4, s26;
	v4 =	vmul.f32 $8.000000000e+00, v4;
	[tilespmem:s25+$0xFFFFFF90] =	vst v6;
	v5 =	vld [tilespmem:s24+$0xA0]  }
0xf7: {  	p0 =	slt.u32 s26, $0x7C;
	v6 =	vld [tilespmem:s28+$0xFFFFFF80];
	[tilespmem:s25+$0x10] =	vst v3;
	v1 =	vmul.f32 $8.000000000e+00, v1  }
0xf8: {  	v3 =	vld [tilespmem:s28+$0x0];
	[tilespmem:s25+$0xFFFFFF10] =	vst v4;
	v0 =	vmul.f32 $8.000000000e+00, v0  }
0xf9: {  	v4 =	vld [tilespmem:s28+$0xFFFFFF00];
	[tilespmem:s23+$0xFFFFFF30] =	vst v1;
	v1 =	vmul.f32 $8.000000000e+00, v2  }
0xfa: {  	v2 =	vmul.f32 $8.000000000e+00, v7;
	v7 =	vld [tilespmem:s24+$0xFFFFFF20];
	[tilespmem:s23+$0xFFFFFFB0] =	vst v0  }
0xfb: {  	v0 =	vld [tilespmem:s24+$0xFFFFFFA0];
	v5 =	vmul.f32 $8.000000000e+00, v5;
	[tilespmem:s23+$0x30] =	vst v1;
	s23 =	smov.u32 s25;
	s25 =	sadd.s32 $0x200, s25  }
0xfc: {  	v1 =	vmul.f32 $8.000000000e+00, v6;
	[tilespmem:s25+$0x80] =	vst v2;
	v2 =	vld [tilespmem:s24+$0x20]  }
0xfd: {  	v3 =	vmul.f32 $8.000000000e+00, v3;
	v6 =	vld [tilespmem:s28+$0x90];
	[tilespmem:s23+$0xA0] =	vst v5  }
0xfe: {  	v4 =	vmul.f32 $8.000000000e+00, v4;
	[tilespmem:s25+$0xFFFFFF80] =	vst v1;
	v5 =	vld [tilespmem:s24+$0xB0]  }
0xff: {  	v8 =	vld [tilespmem:s28+$0xFFFFFF90];
	[tilespmem:s25+$0x0] =	vst v3;
	v1 =	vmul.f32 $8.000000000e+00, v7  }
.Ltmp13:
0x100: {  	[tilespmem:s25+$0xFFFFFF00] =	vst v4;
	v3 =	vld [tilespmem:s28+$0x10];
	v0 =	vmul.f32 $8.000000000e+00, v0;
	(pc) =	sbr.rel @p0 .LBB2_9-.Ltmp13, $4  }
0x101: {  	v4 =	vld [tilespmem:s28+$0xFFFFFF10];
	[tilespmem:s23+$0xFFFFFF20] =	vst v1;
	v2 =	vmul.f32 $8.000000000e+00, v2  }
0x102: {  	v7 =	vmul.f32 $8.000000000e+00, v6;
	v1 =	vld [tilespmem:s24+$0xFFFFFF30];
	[tilespmem:s23+$0xFFFFFFA0] =	vst v0  }
0x103: {  	v0 =	vld [tilespmem:s24+$0xFFFFFFB0];
	[tilespmem:s23+$0x20] =	vst v2;
	v5 =	vmul.f32 $8.000000000e+00, v5  }
0x104: {  	v6 =	vmul.f32 $8.000000000e+00, v8;
	[tilespmem:s25+$0x90] =	vst v7;
	v2 =	vld [tilespmem:s24+$0x30];
	s24 =	smov.u32 s28;
	s28 =	sadd.s32 $0x200, s28  }
0x105: {  	v3 =	vmul.f32 $8.000000000e+00, v3  }
0x106: {  	v7 =	vld [tilespmem:s24+$0xA0];
	v4 =	vmul.f32 $8.000000000e+00, v4;
	[tilespmem:s25+$0xFFFFFF90] =	vst v6  }
0x107: {  	[tilespmem:s25+$0x10] =	vst v3;
	v53 =	vld [tilespmem:s24+$0xFFFFFFA0]  }
0x108: {  	[tilespmem:s25+$0xFFFFFF10] =	vst v4;
	v54 =	vld [tilespmem:s24+$0x20]  }
0x109: {  	v4 =	vld [tilespmem:s24+$0xFFFFFF20];
	_ =	sdelay $0x1  }
0x10a: {  	v7 =	vmul.f32 $8.000000000e+00, v7  }
0x10b: {  	v3 =	vmul.f32 $8.000000000e+00, v53  }
0x10c: {  	[tilespmem:s25+$0xA0] =	vst v7;
	v6 =	vmul.f32 $8.000000000e+00, v54  }
0x10d: {  	v55 =	vld [tilespmem:s24+$0xB0];
	v4 =	vmul.f32 $8.000000000e+00, v4;
	[tilespmem:s25+$0xFFFFFFA0] =	vst v3  }
0x10e: {  	[tilespmem:s25+$0x20] =	vst v6;
	v57 =	vld [tilespmem:s24+$0xFFFFFFB0]  }
0x10f: {  	v1 =	vmul.f32 $8.000000000e+00, v1;
	[tilespmem:s25+$0xFFFFFF20] =	vst v4;
	v58 =	vld [tilespmem:s24+$0x30]  }
0x110: {  	[tilespmem:s23+$0xB0] =	vst v5;
	v0 =	vmul.f32 $8.000000000e+00, v0;
	v56 =	vld [tilespmem:s24+$0xFFFFFF30]  }
0x111: {  	[tilespmem:s23+$0xFFFFFF30] =	vst v1;
	v59 =	vmul.f32 $8.000000000e+00, v2  }
0x112: {  	[tilespmem:s23+$0xFFFFFFB0] =	vst v0;
	v60 =	vmul.f32 $8.000000000e+00, v55  }
0x113: {  	[tilespmem:s23+$0x30] =	vst v59;
	v62 =	vmul.f32 $8.000000000e+00, v57  }
0x114: {  	s31 =	sshll.u32 s22, $0xE;
	[tilespmem:s25+$0xB0] =	vst v60;
	v63 =	vmul.f32 $8.000000000e+00, v58  }
0x115: {  	s23 =	sadd.s32 s6, s31;
	v61 =	vmul.f32 $8.000000000e+00, v56;
	[tilespmem:s25+$0xFFFFFFB0] =	vst v62  }
0x116: {  	s23 =	sshrl.u32 s23, $0x3;
	[tilespmem:s25+$0x30] =	vst v63  }
0x117: {  	s23 =	sadd.s32 s4, s23;
	[tilespmem:s25+$0xFFFFFF30] =	vst v61  }
0x118: {  	[hbm4b:s23+s2] =	stream.linear.scatter [tilespmem:s15], [sflag:$0x5], $0x4000, $0x38;
	[tilespmem:$0x1A400] =	vst v63  }
.Ltmp14:
0x119: {  	p0 =	sgt.u32 s22, $0xC4;
	(pc) =	sbr.rel .LBB2_25-.Ltmp14, $4  }
0x11a: {  	s23 =	sshll.u32 @!p0 s22, $0x7  }
0x11b: {  	s23 =	sand.u32 @!p0 $0x3FFFFF80, s23  }
0x11c: {  	s24 =	simm.s32 @!p0 $0x80;
	s25 =	simm.s32 @!p0 $0x6400;
	s23 =	sadd.s32 @!p0 $0x180, s23  }
0x11d: {  	[tilespmem:s25], [sflag:$0x1] =	stream.indirect.gather @!p0 [hbm4b:s3+s24], $0x80, s23, s24, $0xb8;
	[tilespmem:$0x1A400] =	vst v63  }
.LBB2_12:
0x11e: {  	p0 =	slt.u32 s22, $0x2  }
0x11f: {  	s23 =	simm.s32 @!p0 $0x4  }
0x120: {  	_ =	swait.ge @!p0 [sflag:s23], $0x4000  }
0x121: {  	[sflag:s23] =	ssyncset.done @!p0 $0x0  }
0x122: {  	s29 =	simm.s32 $0xA500;
	[sflag:s23] =	ssyncadd.s32 @!p0 $0xFFFFC000  }
0x123: {  	v0 =	vld [tilespmem:s29+$0x80];
	_ =	sdelay $0x3  }
0x124: {  	v1 =	vld [tilespmem:s29+$0xFFFFFF00]  }
0x125: {  	v2 =	vld [tilespmem:s29+$0xFFFFFF80];
	v0 =	vmul.f32 $8.000000000e+00, v0  }
0x126: {  	s23 =	simm.s32 $0x12500;
	v3 =	vld [tilespmem:s29+$0x0]  }
0x127: {  	[tilespmem:s23+$0x80] =	vst v0  }
0x128: {  	v0 =	vld [tilespmem:s29+$0x90]  }
0x129: {  	v1 =	vmul.f32 $8.000000000e+00, v1  }
0x12a: {  	v2 =	vmul.f32 $8.000000000e+00, v2  }
0x12b: {  	v3 =	vmul.f32 $8.000000000e+00, v3;
	[tilespmem:s23+$0xFFFFFF00] =	vst v1  }
0x12c: {  	[tilespmem:s23+$0xFFFFFF80] =	vst v2;
	v1 =	vld [tilespmem:s29+$0xFFFFFF10]  }
0x12d: {  	[tilespmem:s23+$0x0] =	vst v3;
	v2 =	vld [tilespmem:s29+$0xFFFFFF90];
	v0 =	vmul.f32 $8.000000000e+00, v0  }
0x12e: {  	s24 =	simm.s32 $0xA700;
	v3 =	vld [tilespmem:s29+$0x10]  }
0x12f: {  	[tilespmem:s23+$0x90] =	vst v0;
	v0 =	vld [tilespmem:s24+$0x80]  }
0x130: {  	v4 =	vld [tilespmem:s29+$0xA0]  }
0x131: {  	v5 =	vld [tilespmem:s24+$0xFFFFFF80];
	v1 =	vmul.f32 $8.000000000e+00, v1  }
0x132: {  	v6 =	vld [tilespmem:s24+$0x0];
	v2 =	vmul.f32 $8.000000000e+00, v2  }
0x133: {  	v3 =	vmul.f32 $8.000000000e+00, v3;
	[tilespmem:s23+$0xFFFFFF10] =	vst v1;
	v1 =	vld [tilespmem:s24+$0xFFFFFF00]  }
0x134: {  	[tilespmem:s23+$0xFFFFFF90] =	vst v2;
	v2 =	vld [tilespmem:s29+$0xFFFFFF20];
	v0 =	vmul.f32 $8.000000000e+00, v0  }
0x135: {  	s25 =	simm.s32 $0x12700;
	[tilespmem:s23+$0x10] =	vst v3;
	v7 =	vld [tilespmem:s29+$0xFFFFFFA0];
	v3 =	vmul.f32 $8.000000000e+00, v4  }
0x136: {  	v4 =	vmul.f32 $8.000000000e+00, v5;
	[tilespmem:s25+$0x80] =	vst v0;
	v0 =	vld [tilespmem:s29+$0x20]  }
0x137: {  	v5 =	vmul.f32 $8.000000000e+00, v6;
	v6 =	vld [tilespmem:s24+$0x90];
	[tilespmem:s23+$0xA0] =	vst v3  }
0x138: {  	v1 =	vmul.f32 $8.000000000e+00, v1;
	[tilespmem:s25+$0xFFFFFF80] =	vst v4;
	v8 =	vld [tilespmem:s29+$0xB0]  }
0x139: {  	v2 =	vmul.f32 $8.000000000e+00, v2;
	[tilespmem:s25+$0x0] =	vst v5;
	v9 =	vld [tilespmem:s24+$0xFFFFFF90]  }
0x13a: {  	[tilespmem:s25+$0xFFFFFF00] =	vst v1;
	v5 =	vmul.f32 $8.000000000e+00, v7;
	v3 =	vld [tilespmem:s24+$0x10]  }
0x13b: {  	v4 =	vld [tilespmem:s24+$0xFFFFFF10];
	[tilespmem:s23+$0xFFFFFF20] =	vst v2;
	v2 =	vmul.f32 $8.000000000e+00, v0  }
0x13c: {  	v1 =	vld [tilespmem:s29+$0xFFFFFF30];
	[tilespmem:s23+$0xFFFFFFA0] =	vst v5;
	v7 =	vmul.f32 $8.000000000e+00, v6  }
0x13d: {  	v0 =	vld [tilespmem:s29+$0xFFFFFFB0];
	[tilespmem:s23+$0x20] =	vst v2;
	v5 =	vmul.f32 $8.000000000e+00, v8  }
0x13e: {  	s26 =	simm.s32 $0x4;
	s28 =	simm.s32 $0xA900;
	v6 =	vmul.f32 $8.000000000e+00, v9;
	[tilespmem:s25+$0x90] =	vst v7;
	v2 =	vld [tilespmem:s29+$0x30]  }
.LBB2_13:
0x13f: {  	v7 =	vld [tilespmem:s28+$0x80];
	v3 =	vmul.f32 $8.000000000e+00, v3;
	[tilespmem:s23+$0xB0] =	vst v5  }
0x140: {  	s26 =	sadd.s32 $0x4, s26;
	v4 =	vmul.f32 $8.000000000e+00, v4;
	[tilespmem:s25+$0xFFFFFF90] =	vst v6;
	v5 =	vld [tilespmem:s24+$0xA0]  }
0x141: {  	p0 =	slt.u32 s26, $0x7C;
	v6 =	vld [tilespmem:s28+$0xFFFFFF80];
	[tilespmem:s25+$0x10] =	vst v3;
	v1 =	vmul.f32 $8.000000000e+00, v1  }
0x142: {  	v3 =	vld [tilespmem:s28+$0x0];
	[tilespmem:s25+$0xFFFFFF10] =	vst v4;
	v0 =	vmul.f32 $8.000000000e+00, v0  }
0x143: {  	v4 =	vld [tilespmem:s28+$0xFFFFFF00];
	[tilespmem:s23+$0xFFFFFF30] =	vst v1;
	v1 =	vmul.f32 $8.000000000e+00, v2  }
0x144: {  	v2 =	vmul.f32 $8.000000000e+00, v7;
	v7 =	vld [tilespmem:s24+$0xFFFFFF20];
	[tilespmem:s23+$0xFFFFFFB0] =	vst v0  }
0x145: {  	v0 =	vld [tilespmem:s24+$0xFFFFFFA0];
	v5 =	vmul.f32 $8.000000000e+00, v5;
	[tilespmem:s23+$0x30] =	vst v1;
	s23 =	smov.u32 s25;
	s25 =	sadd.s32 $0x200, s25  }
0x146: {  	v1 =	vmul.f32 $8.000000000e+00, v6;
	[tilespmem:s25+$0x80] =	vst v2;
	v2 =	vld [tilespmem:s24+$0x20]  }
0x147: {  	v3 =	vmul.f32 $8.000000000e+00, v3;
	v6 =	vld [tilespmem:s28+$0x90];
	[tilespmem:s23+$0xA0] =	vst v5  }
0x148: {  	v4 =	vmul.f32 $8.000000000e+00, v4;
	[tilespmem:s25+$0xFFFFFF80] =	vst v1;
	v5 =	vld [tilespmem:s24+$0xB0]  }
0x149: {  	v8 =	vld [tilespmem:s28+$0xFFFFFF90];
	[tilespmem:s25+$0x0] =	vst v3;
	v1 =	vmul.f32 $8.000000000e+00, v7  }
.Ltmp15:
0x14a: {  	[tilespmem:s25+$0xFFFFFF00] =	vst v4;
	v3 =	vld [tilespmem:s28+$0x10];
	v0 =	vmul.f32 $8.000000000e+00, v0;
	(pc) =	sbr.rel @p0 .LBB2_13-.Ltmp15, $4  }
0x14b: {  	v4 =	vld [tilespmem:s28+$0xFFFFFF10];
	[tilespmem:s23+$0xFFFFFF20] =	vst v1;
	v2 =	vmul.f32 $8.000000000e+00, v2  }
0x14c: {  	v7 =	vmul.f32 $8.000000000e+00, v6;
	v1 =	vld [tilespmem:s24+$0xFFFFFF30];
	[tilespmem:s23+$0xFFFFFFA0] =	vst v0  }
0x14d: {  	v0 =	vld [tilespmem:s24+$0xFFFFFFB0];
	[tilespmem:s23+$0x20] =	vst v2;
	v5 =	vmul.f32 $8.000000000e+00, v5  }
0x14e: {  	v6 =	vmul.f32 $8.000000000e+00, v8;
	[tilespmem:s25+$0x90] =	vst v7;
	v2 =	vld [tilespmem:s24+$0x30];
	s24 =	smov.u32 s28;
	s28 =	sadd.s32 $0x200, s28  }
0x14f: {  	v3 =	vmul.f32 $8.000000000e+00, v3  }
0x150: {  	v7 =	vld [tilespmem:s24+$0xA0];
	v4 =	vmul.f32 $8.000000000e+00, v4;
	[tilespmem:s25+$0xFFFFFF90] =	vst v6  }
0x151: {  	[tilespmem:s25+$0x10] =	vst v3;
	v53 =	vld [tilespmem:s24+$0xFFFFFFA0]  }
0x152: {  	[tilespmem:s25+$0xFFFFFF10] =	vst v4;
	v54 =	vld [tilespmem:s24+$0x20]  }
0x153: {  	v4 =	vld [tilespmem:s24+$0xFFFFFF20];
	_ =	sdelay $0x1  }
0x154: {  	v7 =	vmul.f32 $8.000000000e+00, v7  }
0x155: {  	v3 =	vmul.f32 $8.000000000e+00, v53  }
0x156: {  	[tilespmem:s25+$0xA0] =	vst v7;
	v6 =	vmul.f32 $8.000000000e+00, v54  }
0x157: {  	v55 =	vld [tilespmem:s24+$0xB0];
	v4 =	vmul.f32 $8.000000000e+00, v4;
	[tilespmem:s25+$0xFFFFFFA0] =	vst v3  }
0x158: {  	[tilespmem:s25+$0x20] =	vst v6;
	v57 =	vld [tilespmem:s24+$0xFFFFFFB0]  }
0x159: {  	v1 =	vmul.f32 $8.000000000e+00, v1;
	[tilespmem:s25+$0xFFFFFF20] =	vst v4;
	v58 =	vld [tilespmem:s24+$0x30]  }
0x15a: {  	[tilespmem:s23+$0xB0] =	vst v5;
	v0 =	vmul.f32 $8.000000000e+00, v0;
	v56 =	vld [tilespmem:s24+$0xFFFFFF30]  }
0x15b: {  	[tilespmem:s23+$0xFFFFFF30] =	vst v1;
	v59 =	vmul.f32 $8.000000000e+00, v2  }
0x15c: {  	[tilespmem:s23+$0xFFFFFFB0] =	vst v0;
	v60 =	vmul.f32 $8.000000000e+00, v55  }
0x15d: {  	[tilespmem:s23+$0x30] =	vst v59;
	v62 =	vmul.f32 $8.000000000e+00, v57  }
0x15e: {  	s31 =	sshll.u32 s22, $0xE;
	[tilespmem:s25+$0xB0] =	vst v60;
	v63 =	vmul.f32 $8.000000000e+00, v58  }
0x15f: {  	s23 =	sadd.s32 s6, s31;
	v61 =	vmul.f32 $8.000000000e+00, v56;
	[tilespmem:s25+$0xFFFFFFB0] =	vst v62  }
0x160: {  	s23 =	sshrl.u32 s23, $0x3;
	[tilespmem:s25+$0x30] =	vst v63  }
0x161: {  	s23 =	sadd.s32 s4, s23;
	[tilespmem:s25+$0xFFFFFF30] =	vst v61  }
0x162: {  	[hbm4b:s23+s2] =	stream.linear.scatter [tilespmem:s16], [sflag:$0x4], $0x4000, $0x38;
	[tilespmem:$0x1A400] =	vst v63  }
.Ltmp16:
0x163: {  	p0 =	sgt.u32 s22, $0xC4;
	(pc) =	sbr.rel .LBB2_25-.Ltmp16, $4  }
0x164: {  	s23 =	sshll.u32 @!p0 s22, $0x7  }
0x165: {  	s23 =	sand.u32 @!p0 $0x3FFFFF80, s23  }
0x166: {  	s24 =	simm.s32 @!p0 $0x80;
	s25 =	simm.s32 @!p0 $0xA400;
	s23 =	sadd.s32 @!p0 $0x180, s23  }
0x167: {  	[tilespmem:s25], [sflag:$0x2] =	stream.indirect.gather @!p0 [hbm4b:s3+s24], $0x80, s23, s24, $0xb8;
	[tilespmem:$0x1A400] =	vst v63  }
.LBB2_19:
0x168: {  	p0 =	slt.u32 s22, $0x2  }
0x169: {  	s23 =	simm.s32 @!p0 $0x4  }
0x16a: {  	_ =	swait.ge @!p0 [sflag:s23], $0x4000  }
0x16b: {  	[sflag:s23] =	ssyncset.done @!p0 $0x0  }
0x16c: {  	s29 =	simm.s32 $0xE500;
	[sflag:s23] =	ssyncadd.s32 @!p0 $0xFFFFC000  }
0x16d: {  	v0 =	vld [tilespmem:s29+$0x80];
	_ =	sdelay $0x3  }
0x16e: {  	v1 =	vld [tilespmem:s29+$0xFFFFFF00]  }
0x16f: {  	v2 =	vld [tilespmem:s29+$0xFFFFFF80];
	v0 =	vmul.f32 $8.000000000e+00, v0  }
0x170: {  	s23 =	simm.s32 $0x12500;
	v3 =	vld [tilespmem:s29+$0x0]  }
0x171: {  	[tilespmem:s23+$0x80] =	vst v0  }
0x172: {  	v0 =	vld [tilespmem:s29+$0x90]  }
0x173: {  	v1 =	vmul.f32 $8.000000000e+00, v1  }
0x174: {  	v2 =	vmul.f32 $8.000000000e+00, v2  }
0x175: {  	v3 =	vmul.f32 $8.000000000e+00, v3;
	[tilespmem:s23+$0xFFFFFF00] =	vst v1  }
0x176: {  	[tilespmem:s23+$0xFFFFFF80] =	vst v2;
	v1 =	vld [tilespmem:s29+$0xFFFFFF10]  }
0x177: {  	[tilespmem:s23+$0x0] =	vst v3;
	v2 =	vld [tilespmem:s29+$0xFFFFFF90];
	v0 =	vmul.f32 $8.000000000e+00, v0  }
0x178: {  	s24 =	simm.s32 $0xE700;
	v3 =	vld [tilespmem:s29+$0x10]  }
0x179: {  	[tilespmem:s23+$0x90] =	vst v0;
	v0 =	vld [tilespmem:s24+$0x80]  }
0x17a: {  	v4 =	vld [tilespmem:s29+$0xA0]  }
0x17b: {  	v5 =	vld [tilespmem:s24+$0xFFFFFF80];
	v1 =	vmul.f32 $8.000000000e+00, v1  }
0x17c: {  	v6 =	vld [tilespmem:s24+$0x0];
	v2 =	vmul.f32 $8.000000000e+00, v2  }
0x17d: {  	v3 =	vmul.f32 $8.000000000e+00, v3;
	[tilespmem:s23+$0xFFFFFF10] =	vst v1;
	v1 =	vld [tilespmem:s24+$0xFFFFFF00]  }
0x17e: {  	[tilespmem:s23+$0xFFFFFF90] =	vst v2;
	v2 =	vld [tilespmem:s29+$0xFFFFFF20];
	v0 =	vmul.f32 $8.000000000e+00, v0  }
0x17f: {  	s25 =	simm.s32 $0x12700;
	[tilespmem:s23+$0x10] =	vst v3;
	v7 =	vld [tilespmem:s29+$0xFFFFFFA0];
	v3 =	vmul.f32 $8.000000000e+00, v4  }
0x180: {  	v4 =	vmul.f32 $8.000000000e+00, v5;
	[tilespmem:s25+$0x80] =	vst v0;
	v0 =	vld [tilespmem:s29+$0x20]  }
0x181: {  	v5 =	vmul.f32 $8.000000000e+00, v6;
	v6 =	vld [tilespmem:s24+$0x90];
	[tilespmem:s23+$0xA0] =	vst v3  }
0x182: {  	v1 =	vmul.f32 $8.000000000e+00, v1;
	[tilespmem:s25+$0xFFFFFF80] =	vst v4;
	v8 =	vld [tilespmem:s29+$0xB0]  }
0x183: {  	v2 =	vmul.f32 $8.000000000e+00, v2;
	[tilespmem:s25+$0x0] =	vst v5;
	v9 =	vld [tilespmem:s24+$0xFFFFFF90]  }
0x184: {  	[tilespmem:s25+$0xFFFFFF00] =	vst v1;
	v5 =	vmul.f32 $8.000000000e+00, v7;
	v3 =	vld [tilespmem:s24+$0x10]  }
0x185: {  	v4 =	vld [tilespmem:s24+$0xFFFFFF10];
	[tilespmem:s23+$0xFFFFFF20] =	vst v2;
	v2 =	vmul.f32 $8.000000000e+00, v0  }
0x186: {  	v1 =	vld [tilespmem:s29+$0xFFFFFF30];
	[tilespmem:s23+$0xFFFFFFA0] =	vst v5;
	v7 =	vmul.f32 $8.000000000e+00, v6  }
0x187: {  	v0 =	vld [tilespmem:s29+$0xFFFFFFB0];
	[tilespmem:s23+$0x20] =	vst v2;
	v5 =	vmul.f32 $8.000000000e+00, v8  }
0x188: {  	s26 =	simm.s32 $0x4;
	s28 =	simm.s32 $0xE900;
	v6 =	vmul.f32 $8.000000000e+00, v9;
	[tilespmem:s25+$0x90] =	vst v7;
	v2 =	vld [tilespmem:s29+$0x30]  }
.LBB2_20:
0x189: {  	v7 =	vld [tilespmem:s28+$0x80];
	v3 =	vmul.f32 $8.000000000e+00, v3;
	[tilespmem:s23+$0xB0] =	vst v5  }
0x18a: {  	s26 =	sadd.s32 $0x4, s26;
	v4 =	vmul.f32 $8.000000000e+00, v4;
	[tilespmem:s25+$0xFFFFFF90] =	vst v6;
	v5 =	vld [tilespmem:s24+$0xA0]  }
0x18b: {  	p0 =	slt.u32 s26, $0x7C;
	v6 =	vld [tilespmem:s28+$0xFFFFFF80];
	[tilespmem:s25+$0x10] =	vst v3;
	v1 =	vmul.f32 $8.000000000e+00, v1  }
0x18c: {  	v3 =	vld [tilespmem:s28+$0x0];
	[tilespmem:s25+$0xFFFFFF10] =	vst v4;
	v0 =	vmul.f32 $8.000000000e+00, v0  }
0x18d: {  	v4 =	vld [tilespmem:s28+$0xFFFFFF00];
	[tilespmem:s23+$0xFFFFFF30] =	vst v1;
	v1 =	vmul.f32 $8.000000000e+00, v2  }
0x18e: {  	v2 =	vmul.f32 $8.000000000e+00, v7;
	v7 =	vld [tilespmem:s24+$0xFFFFFF20];
	[tilespmem:s23+$0xFFFFFFB0] =	vst v0  }
0x18f: {  	v0 =	vld [tilespmem:s24+$0xFFFFFFA0];
	v5 =	vmul.f32 $8.000000000e+00, v5;
	[tilespmem:s23+$0x30] =	vst v1;
	s23 =	smov.u32 s25;
	s25 =	sadd.s32 $0x200, s25  }
0x190: {  	v1 =	vmul.f32 $8.000000000e+00, v6;
	[tilespmem:s25+$0x80] =	vst v2;
	v2 =	vld [tilespmem:s24+$0x20]  }
0x191: {  	v3 =	vmul.f32 $8.000000000e+00, v3;
	v6 =	vld [tilespmem:s28+$0x90];
	[tilespmem:s23+$0xA0] =	vst v5  }
0x192: {  	v4 =	vmul.f32 $8.000000000e+00, v4;
	[tilespmem:s25+$0xFFFFFF80] =	vst v1;
	v5 =	vld [tilespmem:s24+$0xB0]  }
0x193: {  	v8 =	vld [tilespmem:s28+$0xFFFFFF90];
	[tilespmem:s25+$0x0] =	vst v3;
	v1 =	vmul.f32 $8.000000000e+00, v7  }
.Ltmp17:
0x194: {  	[tilespmem:s25+$0xFFFFFF00] =	vst v4;
	v3 =	vld [tilespmem:s28+$0x10];
	v0 =	vmul.f32 $8.000000000e+00, v0;
	(pc) =	sbr.rel @p0 .LBB2_20-.Ltmp17, $4  }
0x195: {  	v4 =	vld [tilespmem:s28+$0xFFFFFF10];
	[tilespmem:s23+$0xFFFFFF20] =	vst v1;
	v2 =	vmul.f32 $8.000000000e+00, v2  }
0x196: {  	v7 =	vmul.f32 $8.000000000e+00, v6;
	v1 =	vld [tilespmem:s24+$0xFFFFFF30];
	[tilespmem:s23+$0xFFFFFFA0] =	vst v0  }
0x197: {  	v0 =	vld [tilespmem:s24+$0xFFFFFFB0];
	[tilespmem:s23+$0x20] =	vst v2;
	v5 =	vmul.f32 $8.000000000e+00, v5  }
0x198: {  	v6 =	vmul.f32 $8.000000000e+00, v8;
	[tilespmem:s25+$0x90] =	vst v7;
	v2 =	vld [tilespmem:s24+$0x30];
	s24 =	smov.u32 s28;
	s28 =	sadd.s32 $0x200, s28  }
0x199: {  	v3 =	vmul.f32 $8.000000000e+00, v3  }
0x19a: {  	v7 =	vld [tilespmem:s24+$0xA0];
	v4 =	vmul.f32 $8.000000000e+00, v4;
	[tilespmem:s25+$0xFFFFFF90] =	vst v6  }
0x19b: {  	[tilespmem:s25+$0x10] =	vst v3;
	v53 =	vld [tilespmem:s24+$0xFFFFFFA0]  }
0x19c: {  	[tilespmem:s25+$0xFFFFFF10] =	vst v4;
	v54 =	vld [tilespmem:s24+$0x20]  }
0x19d: {  	v4 =	vld [tilespmem:s24+$0xFFFFFF20];
	_ =	sdelay $0x1  }
0x19e: {  	v7 =	vmul.f32 $8.000000000e+00, v7  }
0x19f: {  	v3 =	vmul.f32 $8.000000000e+00, v53  }
0x1a0: {  	[tilespmem:s25+$0xA0] =	vst v7;
	v6 =	vmul.f32 $8.000000000e+00, v54  }
0x1a1: {  	v55 =	vld [tilespmem:s24+$0xB0];
	v4 =	vmul.f32 $8.000000000e+00, v4;
	[tilespmem:s25+$0xFFFFFFA0] =	vst v3  }
0x1a2: {  	[tilespmem:s25+$0x20] =	vst v6;
	v57 =	vld [tilespmem:s24+$0xFFFFFFB0]  }
0x1a3: {  	v1 =	vmul.f32 $8.000000000e+00, v1;
	[tilespmem:s25+$0xFFFFFF20] =	vst v4;
	v58 =	vld [tilespmem:s24+$0x30]  }
0x1a4: {  	[tilespmem:s23+$0xB0] =	vst v5;
	v0 =	vmul.f32 $8.000000000e+00, v0;
	v56 =	vld [tilespmem:s24+$0xFFFFFF30]  }
0x1a5: {  	[tilespmem:s23+$0xFFFFFF30] =	vst v1;
	v59 =	vmul.f32 $8.000000000e+00, v2  }
0x1a6: {  	[tilespmem:s23+$0xFFFFFFB0] =	vst v0;
	v60 =	vmul.f32 $8.000000000e+00, v55  }
0x1a7: {  	[tilespmem:s23+$0x30] =	vst v59;
	v62 =	vmul.f32 $8.000000000e+00, v57  }
0x1a8: {  	s31 =	sshll.u32 s22, $0xE;
	[tilespmem:s25+$0xB0] =	vst v60;
	v63 =	vmul.f32 $8.000000000e+00, v58  }
0x1a9: {  	s23 =	sadd.s32 s6, s31;
	v61 =	vmul.f32 $8.000000000e+00, v56;
	[tilespmem:s25+$0xFFFFFFB0] =	vst v62  }
0x1aa: {  	s23 =	sshrl.u32 s23, $0x3;
	[tilespmem:s25+$0x30] =	vst v63  }
0x1ab: {  	s23 =	sadd.s32 s4, s23;
	[tilespmem:s25+$0xFFFFFF30] =	vst v61  }
0x1ac: {  	[hbm4b:s23+s2] =	stream.linear.scatter [tilespmem:s16], [sflag:$0x4], $0x4000, $0x38;
	[tilespmem:$0x1A400] =	vst v63  }
.Ltmp18:
0x1ad: {  	p0 =	sgt.u32 s22, $0xC4;
	(pc) =	sbr.rel .LBB2_25-.Ltmp18, $4  }
0x1ae: {  	s23 =	sshll.u32 @!p0 s22, $0x7  }
0x1af: {  	s23 =	sand.u32 @!p0 $0x3FFFFF80, s23  }
0x1b0: {  	s24 =	simm.s32 @!p0 $0x80;
	s25 =	simm.s32 @!p0 $0xE400;
	s23 =	sadd.s32 @!p0 $0x180, s23  }
0x1b1: {  	[tilespmem:s25], [sflag:$0x3] =	stream.indirect.gather @!p0 [hbm4b:s3+s24], $0x80, s23, s24, $0xb8;
	[tilespmem:$0x1A400] =	vst v63  }
.LBB2_5:
0x1b2: {  	s23 =	simm.s32 @!p1 $0x4  }
0x1b3: {  	_ =	swait.ge @!p1 [sflag:s23], $0x4000  }
0x1b4: {  	[sflag:s23] =	ssyncset.done @!p1 $0x0  }
0x1b5: {  	s29 =	simm.s32 $0x6500;
	[sflag:s23] =	ssyncadd.s32 @!p1 $0xFFFFC000  }
0x1b6: {  	v0 =	vld [tilespmem:s29+$0x80];
	_ =	sdelay $0x3  }
0x1b7: {  	v1 =	vld [tilespmem:s29+$0xFFFFFF00]  }
0x1b8: {  	v2 =	vld [tilespmem:s29+$0xFFFFFF80];
	v0 =	vmul.f32 $8.000000000e+00, v0  }
0x1b9: {  	s23 =	simm.s32 $0x12500;
	v3 =	vld [tilespmem:s29+$0x0]  }
0x1ba: {  	[tilespmem:s23+$0x80] =	vst v0  }
0x1bb: {  	v0 =	vld [tilespmem:s29+$0x90]  }
0x1bc: {  	v1 =	vmul.f32 $8.000000000e+00, v1  }
0x1bd: {  	v2 =	vmul.f32 $8.000000000e+00, v2  }
0x1be: {  	v3 =	vmul.f32 $8.000000000e+00, v3;
	[tilespmem:s23+$0xFFFFFF00] =	vst v1  }
0x1bf: {  	[tilespmem:s23+$0xFFFFFF80] =	vst v2;
	v1 =	vld [tilespmem:s29+$0xFFFFFF10]  }
0x1c0: {  	[tilespmem:s23+$0x0] =	vst v3;
	v2 =	vld [tilespmem:s29+$0xFFFFFF90];
	v0 =	vmul.f32 $8.000000000e+00, v0  }
0x1c1: {  	s24 =	simm.s32 $0x6700;
	v3 =	vld [tilespmem:s29+$0x10]  }
0x1c2: {  	[tilespmem:s23+$0x90] =	vst v0;
	v0 =	vld [tilespmem:s24+$0x80]  }
0x1c3: {  	v4 =	vld [tilespmem:s29+$0xA0]  }
0x1c4: {  	v5 =	vld [tilespmem:s24+$0xFFFFFF80];
	v1 =	vmul.f32 $8.000000000e+00, v1  }
0x1c5: {  	v6 =	vld [tilespmem:s24+$0x0];
	v2 =	vmul.f32 $8.000000000e+00, v2  }
0x1c6: {  	v3 =	vmul.f32 $8.000000000e+00, v3;
	[tilespmem:s23+$0xFFFFFF10] =	vst v1;
	v1 =	vld [tilespmem:s24+$0xFFFFFF00]  }
0x1c7: {  	[tilespmem:s23+$0xFFFFFF90] =	vst v2;
	v2 =	vld [tilespmem:s29+$0xFFFFFF20];
	v0 =	vmul.f32 $8.000000000e+00, v0  }
0x1c8: {  	s25 =	simm.s32 $0x12700;
	[tilespmem:s23+$0x10] =	vst v3;
	v7 =	vld [tilespmem:s29+$0xFFFFFFA0];
	v3 =	vmul.f32 $8.000000000e+00, v4  }
0x1c9: {  	v4 =	vmul.f32 $8.000000000e+00, v5;
	[tilespmem:s25+$0x80] =	vst v0;
	v0 =	vld [tilespmem:s29+$0x20]  }
0x1ca: {  	v5 =	vmul.f32 $8.000000000e+00, v6;
	v6 =	vld [tilespmem:s24+$0x90];
	[tilespmem:s23+$0xA0] =	vst v3  }
0x1cb: {  	v1 =	vmul.f32 $8.000000000e+00, v1;
	[tilespmem:s25+$0xFFFFFF80] =	vst v4;
	v8 =	vld [tilespmem:s29+$0xB0]  }
0x1cc: {  	v2 =	vmul.f32 $8.000000000e+00, v2;
	[tilespmem:s25+$0x0] =	vst v5;
	v9 =	vld [tilespmem:s24+$0xFFFFFF90]  }
0x1cd: {  	[tilespmem:s25+$0xFFFFFF00] =	vst v1;
	v5 =	vmul.f32 $8.000000000e+00, v7;
	v3 =	vld [tilespmem:s24+$0x10]  }
0x1ce: {  	v4 =	vld [tilespmem:s24+$0xFFFFFF10];
	[tilespmem:s23+$0xFFFFFF20] =	vst v2;
	v2 =	vmul.f32 $8.000000000e+00, v0  }
0x1cf: {  	v1 =	vld [tilespmem:s29+$0xFFFFFF30];
	[tilespmem:s23+$0xFFFFFFA0] =	vst v5;
	v7 =	vmul.f32 $8.000000000e+00, v6  }
0x1d0: {  	v0 =	vld [tilespmem:s29+$0xFFFFFFB0];
	[tilespmem:s23+$0x20] =	vst v2;
	v5 =	vmul.f32 $8.000000000e+00, v8  }
0x1d1: {  	s26 =	simm.s32 $0x4;
	s28 =	simm.s32 $0x6900;
	v6 =	vmul.f32 $8.000000000e+00, v9;
	[tilespmem:s25+$0x90] =	vst v7;
	v2 =	vld [tilespmem:s29+$0x30]  }
.LBB2_6:
0x1d2: {  	v7 =	vld [tilespmem:s28+$0x80];
	v3 =	vmul.f32 $8.000000000e+00, v3;
	[tilespmem:s23+$0xB0] =	vst v5  }
0x1d3: {  	s26 =	sadd.s32 $0x4, s26;
	v4 =	vmul.f32 $8.000000000e+00, v4;
	[tilespmem:s25+$0xFFFFFF90] =	vst v6;
	v5 =	vld [tilespmem:s24+$0xA0]  }
0x1d4: {  	p0 =	slt.u32 s26, $0x7C;
	v6 =	vld [tilespmem:s28+$0xFFFFFF80];
	[tilespmem:s25+$0x10] =	vst v3;
	v1 =	vmul.f32 $8.000000000e+00, v1  }
0x1d5: {  	v3 =	vld [tilespmem:s28+$0x0];
	[tilespmem:s25+$0xFFFFFF10] =	vst v4;
	v0 =	vmul.f32 $8.000000000e+00, v0  }
0x1d6: {  	v4 =	vld [tilespmem:s28+$0xFFFFFF00];
	[tilespmem:s23+$0xFFFFFF30] =	vst v1;
	v1 =	vmul.f32 $8.000000000e+00, v2  }
0x1d7: {  	v2 =	vmul.f32 $8.000000000e+00, v7;
	v7 =	vld [tilespmem:s24+$0xFFFFFF20];
	[tilespmem:s23+$0xFFFFFFB0] =	vst v0  }
0x1d8: {  	v0 =	vld [tilespmem:s24+$0xFFFFFFA0];
	v5 =	vmul.f32 $8.000000000e+00, v5;
	[tilespmem:s23+$0x30] =	vst v1;
	s23 =	smov.u32 s25;
	s25 =	sadd.s32 $0x200, s25  }
0x1d9: {  	v1 =	vmul.f32 $8.000000000e+00, v6;
	[tilespmem:s25+$0x80] =	vst v2;
	v2 =	vld [tilespmem:s24+$0x20]  }
0x1da: {  	v3 =	vmul.f32 $8.000000000e+00, v3;
	v6 =	vld [tilespmem:s28+$0x90];
	[tilespmem:s23+$0xA0] =	vst v5  }
0x1db: {  	v4 =	vmul.f32 $8.000000000e+00, v4;
	[tilespmem:s25+$0xFFFFFF80] =	vst v1;
	v5 =	vld [tilespmem:s24+$0xB0]  }
0x1dc: {  	v8 =	vld [tilespmem:s28+$0xFFFFFF90];
	[tilespmem:s25+$0x0] =	vst v3;
	v1 =	vmul.f32 $8.000000000e+00, v7  }
.Ltmp19:
0x1dd: {  	[tilespmem:s25+$0xFFFFFF00] =	vst v4;
	v3 =	vld [tilespmem:s28+$0x10];
	v0 =	vmul.f32 $8.000000000e+00, v0;
	(pc) =	sbr.rel @p0 .LBB2_6-.Ltmp19, $4  }
0x1de: {  	v4 =	vld [tilespmem:s28+$0xFFFFFF10];
	[tilespmem:s23+$0xFFFFFF20] =	vst v1;
	v2 =	vmul.f32 $8.000000000e+00, v2  }
0x1df: {  	v7 =	vmul.f32 $8.000000000e+00, v6;
	v1 =	vld [tilespmem:s24+$0xFFFFFF30];
	[tilespmem:s23+$0xFFFFFFA0] =	vst v0  }
0x1e0: {  	v0 =	vld [tilespmem:s24+$0xFFFFFFB0];
	[tilespmem:s23+$0x20] =	vst v2;
	v5 =	vmul.f32 $8.000000000e+00, v5  }
0x1e1: {  	v6 =	vmul.f32 $8.000000000e+00, v8;
	[tilespmem:s25+$0x90] =	vst v7;
	v2 =	vld [tilespmem:s24+$0x30];
	s24 =	smov.u32 s28;
	s28 =	sadd.s32 $0x200, s28  }
0x1e2: {  	v3 =	vmul.f32 $8.000000000e+00, v3  }
0x1e3: {  	v7 =	vld [tilespmem:s24+$0xA0];
	v4 =	vmul.f32 $8.000000000e+00, v4;
	[tilespmem:s25+$0xFFFFFF90] =	vst v6  }
0x1e4: {  	[tilespmem:s25+$0x10] =	vst v3;
	v53 =	vld [tilespmem:s24+$0xFFFFFFA0]  }
0x1e5: {  	[tilespmem:s25+$0xFFFFFF10] =	vst v4;
	v54 =	vld [tilespmem:s24+$0x20]  }
0x1e6: {  	v4 =	vld [tilespmem:s24+$0xFFFFFF20];
	_ =	sdelay $0x1  }
0x1e7: {  	v7 =	vmul.f32 $8.000000000e+00, v7  }
0x1e8: {  	v3 =	vmul.f32 $8.000000000e+00, v53  }
0x1e9: {  	[tilespmem:s25+$0xA0] =	vst v7;
	v6 =	vmul.f32 $8.000000000e+00, v54  }
0x1ea: {  	v55 =	vld [tilespmem:s24+$0xB0];
	v4 =	vmul.f32 $8.000000000e+00, v4;
	[tilespmem:s25+$0xFFFFFFA0] =	vst v3  }
0x1eb: {  	[tilespmem:s25+$0x20] =	vst v6;
	v57 =	vld [tilespmem:s24+$0xFFFFFFB0]  }
0x1ec: {  	v1 =	vmul.f32 $8.000000000e+00, v1;
	[tilespmem:s25+$0xFFFFFF20] =	vst v4;
	v58 =	vld [tilespmem:s24+$0x30]  }
0x1ed: {  	[tilespmem:s23+$0xB0] =	vst v5;
	v0 =	vmul.f32 $8.000000000e+00, v0;
	v56 =	vld [tilespmem:s24+$0xFFFFFF30]  }
0x1ee: {  	[tilespmem:s23+$0xFFFFFF30] =	vst v1;
	v59 =	vmul.f32 $8.000000000e+00, v2  }
0x1ef: {  	[tilespmem:s23+$0xFFFFFFB0] =	vst v0;
	v60 =	vmul.f32 $8.000000000e+00, v55  }
0x1f0: {  	[tilespmem:s23+$0x30] =	vst v59;
	v62 =	vmul.f32 $8.000000000e+00, v57  }
0x1f1: {  	s31 =	sshll.u32 s22, $0xE;
	[tilespmem:s25+$0xB0] =	vst v60;
	v63 =	vmul.f32 $8.000000000e+00, v58  }
0x1f2: {  	s23 =	sadd.s32 s6, s31;
	v61 =	vmul.f32 $8.000000000e+00, v56;
	[tilespmem:s25+$0xFFFFFFB0] =	vst v62  }
0x1f3: {  	s23 =	sshrl.u32 s23, $0x3;
	[tilespmem:s25+$0x30] =	vst v63  }
0x1f4: {  	s23 =	sadd.s32 s4, s23;
	[tilespmem:s25+$0xFFFFFF30] =	vst v61  }
0x1f5: {  	[hbm4b:s23+s2] =	stream.linear.scatter [tilespmem:s16], [sflag:$0x4], $0x4000, $0x38;
	[tilespmem:$0x1A400] =	vst v63  }
.Ltmp20:
0x1f6: {  	p0 =	sgt.u32 s22, $0xC4;
	(pc) =	sbr.rel .LBB2_25-.Ltmp20, $4  }
0x1f7: {  	s23 =	sshll.u32 @!p0 s22, $0x7  }
0x1f8: {  	s23 =	sand.u32 @!p0 $0x3FFFFF80, s23  }
0x1f9: {  	s24 =	simm.s32 @!p0 $0x80;
	s25 =	simm.s32 @!p0 $0x6400;
	s23 =	sadd.s32 @!p0 $0x180, s23  }
0x1fa: {  	[tilespmem:s25], [sflag:$0x1] =	stream.indirect.gather @!p0 [hbm4b:s3+s24], $0x80, s23, s24, $0xb8;
	[tilespmem:$0x1A400] =	vst v63  }
.LBB2_27:
0x1fb: {  	_ =	sfence.sel $0x180000  }
0x1fc: {  	[bflag:$0x0] =	sbarrier.arrive $0xFFFF  }
0x1fd: {  	p0 =	sne.s32 s1, $0x0;
	_ =	strace $0x90000047  }
0x1fe: {  	s0 =	sadd.s32 @!p0 $0x100000, s0;
	[bflag:$0x2] =	sbarrier.arrive $0xFFFF  }
0x1ff: {  	[sflag:s0] =	ssyncadd.tile.s32 @!p0 $0x1;
	_ =	shalt  }
.Lfunc_end2:
_tile_overlayer_lowered:
.L_overlay_start_2:
0x200: {  	(tag) =	ssettag $0x2  }
0x201: {  	s0 =	rddreg [dreg:$0x0];
	s2 =	stileid.u32  }
0x202: {  	s1 =	rddreg [dreg:$0x1];
	p0 =	sne.s32 s2, $0x0  }
0x203: {  	s3 =	rddreg [dreg:$0x2];
	[bflag:$0x3] =	sbarrier.arrive $0xFFFF;
	s2 =	simm.s32 @!p0 $0x1C06  }
0x204: {  	[timem:s3], [sflag:s2] =	dma.local @!p0 [hbm:s0], s1  }
0x205: {  	s0 =	simm.s32 @!p0 $0x6  }
0x206: {  	_ =	swait.ge @!p0 [sflag:s0], s1  }
0x207: {  	s1 =	ssub.s32 @!p0 $0x0, s1;
	[sflag:s0] =	ssyncset.done @!p0 $0x0  }
0x208: {  	[sflag:s0] =	ssyncadd.s32 @!p0 s1  }
0x209: {  	[bflag:$0x3] =	sbarrier.arrive $0xFFFF  }
0x20a: {  	_ =	shalt  }

// kernel: sparse-core-data-format-call.cloned.1.call-start
scs
called_computation_lowered:
.L_overlay_start_0:
0x0: {  	s2 =	sld [smem:$0x3FD9]  }
0x1: {  	s3 =	sld [smem:$0x3FFE];
	_ =	sdelay $0x1  }
0x2: {  	s1 =	srdreg.scid  }
0x3: {  	s0 =	sand.u32 $0x1, s1  }
0x4: {  	s18 =	sshll.u32 s0, $0xA;
	s2 =	sadd.s32 s3, s2  }
0x5: {  	s2 =	sadd.s32 s2, s18  }
0x6: {  	[smem:$0x3FC6] =	sst s2  }
0x7: {  	_ = 	snop  }
0x8: {  	s2 =	sld [smem:$0x3FD0];
	(tm) =	ssettm $0x1  }
0x9: {  	s19 =	sld [smem:$0x3FFB];
	_ =	sdelay $0x3  }
0xa: {  	_ =	strace s19  }
0xb: {  	s3 =	sld [smem:$0x3FFC];
	_ =	sdelay $0x3  }
0xc: {  	_ =	strace s3  }
0xd: {  	s3 =	sld [smem:$0x3FFD];
	_ =	sdelay $0x3  }
0xe: {  	_ =	strace s3  }
0xf: {  	_ =	strace $0x8FFFFFFF  }
0x10: {  	s20 =	sld [smem:$0x3FDB];
	_ =	sdelay $0x1  }
0x11: {  	s4 =	simm.s32 $_scs_section_size  }
0x12: {  	s5 =	simm.s32 $_size__tile_overlayer_lowered;
	s6 =	simm.s32 $_tile_overlayer_lowered  }
0x13: {  	s23 =	simm.s32 $0x1BFF;
	s22 =	sshll.u32 s6, $0x1;
	s3 =	sadd.s32 s4, s20  }
0x14: {  	s7 =	simm.s32 $0x0;
	s21 =	sshll.u32 s5, $0x1;
	s5 =	sadd.s32 s22, s3  }
0x15: {  	[timem:s7], [sflag:s23] =	dma.local [hbm:s5], s21  }
0x16: {  	_ =	swait.ge [sflag:s23], s21  }
0x17: {  	s4 =	ssub.s32 $0x0, s21;
	[sflag:s23] =	ssyncset.done $0x0  }
0x18: {  	[sflag:s23] =	ssyncadd.s32 s4;
	_ =	sdelay $0x1  }
0x19: {  	s24 =	simm.s32 $0x1B8B  }
0x1a: {  	_ =	swait.ge [sflag:s24], $0x1  }
0x1b: {  	[sflag:s24] =	ssyncset.done $0x0  }
0x1c: {  	s26 =	simm.s32 $0x1B8E;
	s25 =	sld [smem:$0x3FFE];
	[sflag:s24] =	ssyncadd.s32 $0xFFFFFFFF  }
0x1d: {  	s27 =	simm.s32 $execute0_lowered;
	[smem:$0x3FD2] =	sst s26  }
0x1e: {  	s5 =	sshll.u32 s27, $0x1;
	_ =	strace $0x80000049;
	[dreg:$0x1] =	wrdreg $0xFFFFFFFF  }
0x1f: {  	s28 =	simm.s32 $_size_execute0_lowered;
	s3 =	sadd.s32 s3, s5;
	[dreg:$0x0] =	wrdreg $0x0  }
0x20: {  	s5 =	sshll.u32 s28, $0x1;
	[dreg:$0x2] =	wrdreg s3  }
0x21: {  	[dreg:$0x3] =	wrdreg s5  }
0x22: {  	[dreg:$0x4] =	wrdreg $0xC0  }
0x23: {  	_ =	task [dreg:s7], $0x5FFFF  }
0x24: {  	[dreg:$0x1] =	wrdreg $0xFFFFFFFF  }
0x25: {  	[dreg:$0x0] =	wrdreg $0x60  }
0x26: {  	[dreg:$0x2] =	wrdreg s25  }
0x27: {  	[dreg:$0x3] =	wrdreg s2  }
0x28: {  	[dreg:$0x4] =	wrdreg $0x9  }
0x29: {  	_ =	task.clear_ibuf [dreg:s7], $0x5FFFF;
	_ =	strace $0x90000049  }
0x2a: {  	s29 =	simm.s32 $0x9;
	_ =	strace $0x8000004B  }
0x2b: {  	_ =	swait.ge [sflag:s29], $0x1  }
0x2c: {  	[sflag:s29] =	ssyncadd.s32 $0xFFFFFFFF  }
0x2d: {  	_ =	strace $0x9000004B  }
0x2e: {  	_ =	sfence  }
0x2f: {  	s30 =	sld [smem:$0x0];
	_ =	sdelay $0x2  }
0x30: {  	s31 =	sshll.u32 s1, $0xD;
	s1 =	sshrl.u32 s1, $0x2  }
0x31: {  	s3 =	sand.u32 $0x4000, s31;
	s1 =	sadd.s32 s1, s30  }
0x32: {  	s0 =	sor.u32 s3, s0;
	s1 =	sshll.u32 s1, $0x11  }
0x33: {  	s0 =	sor.u32 s1, s0  }
0x34: {  	s0 =	sadd.s32 $0x8F2B, s0  }
0x35: {  	[sflag:s0] =	ssyncadd.remote.s32 $0x1  }
0x36: {  	_ =	sfence.sel $0xFFFF  }
0x37: {  	[dreg:$0x0] =	wrdreg $0xFFFFFFFF;
	(pc) =	sbr.abs _section_cstart, $3  }
0x38: {  	[dreg:$0x1] =	wrdreg $0xFFFFFFFF  }
0x39: {  	_ =	task.clear_ibuf [dreg:s7], $0x2FFFF;
	_ =	strace $0x9FFFFFFF  }
0x3a: {  	(tm) =	ssettm $0x7FFFFFFF  }
0x3b: {  	_ =	shalt  }
tec
execute0_lowered:
.L_overlay_start_1:
0x0: {  	(tag) =	ssettag $0x1  }
0x1: {  	s0 =	srdreg.scid  }
0x2: {  	s1 =	sshll.u32 s0, $0x4  }
0x3: {  	s0 =	stileid.u32;
	s1 =	sand.u32 $0x10, s1  }
0x4: {  	s1 =	sor.u32 s0, s1  }
0x5: {  	s6 =	rddreg [dreg:$0x0];
	s4 =	simm.s32 $0x1;
	s2 =	sshll.u32 s1, $0x7  }
0x6: {  	s7 =	simm.s32 $0x2;
	s12 =	simm.s32 $0x0;
	s1 =	ssub.s32 $0x1000, s2  }
0x7: {  	s8 =	simm.s32 $0x8000;
	s13 =	simm.s32 $0x0;
	s3 =	sand.u32 $0xF80, s1  }
0x8: {  	s9 =	simm.s32 $0x0;
	s5 =	sshrl.u32 s1, $0xC;
	p0 =	sne.s32 s3, $0x0  }
.Ltmp0:
0x9: {  	s1 =	rddreg [dreg:$0x2];
	s4 =	simm.s32 @!p0 $0x0;
	(pc) =	sbr.rel .LBB1_1-.Ltmp0, $4  }
0xa: {  	s11 =	simm.s32 $0x0;
	s3 =	rddreg [dreg:$0x1];
	s5 =	sadd.s32 s4, s5  }
0xb: {  	_ =	strace $0x8000004A;
	s4 =	simm.s32 $0x1;
	s5 =	smul.u32 $0xC8, s5  }
0xc: {  	s6 =	sadd.s32 $0xA00, s6;
	s10 =	smov.u32 s2;
	[sflag:s4] =	ssyncpa.u1 $0x0  }
0xd: {  	p0 =	por $0x0, $0x0;
	[sflag:s7] =	ssyncpa.u1 $0x0;
	s7 =	sor.u32 $0x1, s5  }
.LBB1_4:
0xe: {  	s16 =	sshll.u32 s13, $0x3;
	s17 =	sand.u32 $0x78, s13  }
0xf: {  	s30 =	sand.u32 $0x7E00, s13;
	s12 =	sshll.u32 s12, $0xF;
	s16 =	sand.u32 $0xC00, s16  }
0x10: {  	[tilespmem:s15+$0x810 ss:$0x81] =	vst.msk $0xffff, v2;
	s31 =	sand.u32 $0x7, s13;
	s16 =	sor.u32 s17, s16;
	s17 =	sadd.s32 s3, s30  }
0x11: {  	[tilespmem:s15+$0x1020 ss:$0x81] =	vst.msk $0xffff, v0;
	s13 =	sshll.u32 s31, $0x12;
	s12 =	sadd.s32 s12, s17;
	s16 =	sshrl.u32 s16, $0x3  }
0x12: {  	[tilespmem:s15+$0x0 ss:$0x81] =	vst.msk $0xffff, v1;
	s13 =	sor.u32 $0x400, s13;
	s12 =	sadd.s32 s16, s12  }
0x13: {  	[hbm4b:s12+s13] =	stream.strided.scatter [tilespmem:s14], [sflag:$0x2], $0x2000, s8, s13, $0x20;
	[tilespmem:$0x8080] =	vst v63  }
.LBB1_5:
0x14: {  	s14 =	sadd.s32 $0x1, s9  }
0x15: {  	s12 =	sadd.s32 $0x1000, s10;
	s16 =	smov.u32 s10;
	p2 =	sgt.s32 s14, $0xC7  }
0x16: {  	s16 =	smov.u32 @p2 s12  }
0x17: {  	s14 =	simm.s32 @p2 $0x0;
	p2 =	sgt.s32 s16, $0xFFF  }
0x18: {  	s16 =	smov.u32 @p2 s2;
	p2 =	sne.s32 s11, s7  }
.Ltmp1:
0x19: {  	p1 =	slt.u32 s11, $0x2;
	(pc) =	sbr.rel @!p2 .LBB1_6-.Ltmp1, $4  }
0x1a: {  	s15 =	simm.s32 @!p1 $0x2  }
0x1b: {  	s13 =	smov.u32 s10;
	p0 =	por !p0, !p0;
	_ =	swait.ge @!p1 [sflag:s15], $0x2000  }
0x1c: {  	s12 =	smov.u32 s9;
	[sflag:s15] =	ssyncset.done @!p1 $0x0;
	s9 =	smov.u32 s14  }
0x1d: {  	s11 =	sadd.s32 $0x1, s11;
	[sflag:s15] =	ssyncadd.s32 @!p1 $0xFFFFE000;
	s10 =	smov.u32 s16  }
.LBB1_1:
0x1e: {  	p1 =	sge.u32 s11, s5  }
0x1f: {  	s14 =	sand.u32 @!p1 $0x1FFFFFF, s9  }
0x20: {  	s15 =	smulhi.u32 @!p1 $0x147AE15, s14;
	_ =	sdelay $0x1  }
0x21: {  	s15 =	smul.u32 @!p1 $0xC8, s15  }
0x22: {  	s16 =	sxor.u32 @!p1 $0xFFFFFFFF, s11;
	s17 =	smul.u32 @!p1 $0xC80, s10  }
0x23: {  	s31 =	sadd.s32 $0xFFFFFFFF, s11;
	s16 =	sshll.u32 @!p1 s16, $0xD;
	s14 =	ssub.s32 @!p1 s14, s15  }
0x24: {  	s15 =	sand.u32 @!p1 $0x2000, s16;
	s16 =	sadd.s32 @!p1 s6, s17;
	s14 =	sshll.u32 @!p1 s14, $0x4  }
0x25: {  	s17 =	simm.s32 @!p1 $0x6400;
	s14 =	sadd.s32 @!p1 s14, s16;
	s16 =	simm.s32 @!p1 $0x40  }
0x26: {  	[tilespmem:s15], [sflag:$0x1] =	stream.strided.gather @!p1 [hbm4b:s14+s16], $0x2000, s17, s16, $0x38;
	[tilespmem:$0x8080] =	vst v63  }
0x27: {  	p1 =	sge.u32 s31, s5  }
.Ltmp2:
0x28: {  	_ = 	snop;
	(pc) =	sbr.rel @p1 .LBB1_5-.Ltmp2, $1  }
0x29: {  	_ =	sdelay $0x3  }
0x2a: {  	s14 =	simm.s32 $0x1  }
0x2b: {  	_ =	swait.ge [sflag:s4], $0x2000;
	s14 =	simm.s32 @!p0 $0x0  }
0x2c: {  	[sflag:s4] =	ssyncset.done $0x0;
	s15 =	sshll.u32 s14, $0xD  }
0x2d: {  	[sflag:s4] =	ssyncadd.s32 $0xFFFFE000;
	s18 =	sor.u32 $0x20, s15  }
0x2e: {  	s14 =	smul.u32 $0x8100, s14;
	v3 =	vld [tilespmem:s18+$0x10]  }
0x2f: {  	s30 =	sand.u32 $0x1, s11;
	v2 =	vld [tilespmem:s18+$0xFFFFFFF0]  }
0x30: {  	s15 =	smul.u32 $0x8100, s30;
	s14 =	sshrl.u32 s14, $0x2;
	v0 =	vld [tilespmem:s18+$0x0]  }
0x31: {  	v1 =	vld [tilespmem:s18+$0xFFFFFFE0];
	s16 =	sor.u32 $0x4000, s14  }
0x32: {  	s31 =	sshrl.u32 s15, $0x2;
	s15 =	sadd.s32 $0x0, s16  }
0x33: {  	s17 =	simm.s32 $0x4;
	s18 =	sadd.s32 $0x40, s18;
	s14 =	sor.u32 $0x4000, s31;
	[tilespmem:s15+$0x1830 ss:$0x81] =	vst.msk $0xffff, v3  }
.LBB1_3:
0x34: {  	v3 =	vld [tilespmem:s18+$0x10];
	p1 =	sne.s32 s17, $0x1FC;
	[tilespmem:s15+$0x810 ss:$0x81] =	vst.msk $0xffff, v2;
	s19 =	smov.u32 s17;
	s17 =	sadd.s32 $0x4, s17  }
.Ltmp3:
0x35: {  	v2 =	vld [tilespmem:s18+$0xFFFFFFF0];
	[tilespmem:s15+$0x1020 ss:$0x81] =	vst.msk $0xffff, v0;
	(pc) =	sbr.rel @p1 .LBB1_3-.Ltmp3, $4  }
0x36: {  	v0 =	vld [tilespmem:s18+$0x0];
	[tilespmem:s15+$0x0 ss:$0x81] =	vst.msk $0xffff, v1  }
0x37: {  	s15 =	sshra.s32 s19, $0x2;
	v1 =	vld [tilespmem:s18+$0xFFFFFFE0]  }
0x38: {  	s15 =	sadd.s32 s15, s16  }
0x39: {  	s18 =	sadd.s32 $0x40, s18;
	[tilespmem:s15+$0x1830 ss:$0x81] =	vst.msk $0xffff, v3  }
.Ltmp4:
0x3a: {  	_ = 	snop;
	(pc) =	sbr.rel .LBB1_4-.Ltmp4, $1  }
0x3b: {  	_ =	sdelay $0x3  }
.LBB1_6:
0x3c: {  	_ =	sfence.sel $0x180000  }
0x3d: {  	s2 =	simm.s32 $0x1;
	[bflag:$0x0] =	sbarrier.arrive $0xFFFF  }
0x3e: {  	s31 =	simm.s32 $0x2;
	[sflag:s2] =	ssyncpa.u1 $0x1  }
0x3f: {  	[sflag:s31] =	ssyncpa.u1 $0x1  }
0x40: {  	p0 =	sne.s32 s0, $0x0;
	_ =	strace $0x9000004A  }
0x41: {  	s0 =	sadd.s32 @!p0 $0x100000, s1;
	[bflag:$0x2] =	sbarrier.arrive $0xFFFF  }
0x42: {  	[sflag:s0] =	ssyncadd.tile.s32 @!p0 $0x1;
	_ =	shalt  }
.Lfunc_end1:
_tile_overlayer_lowered:
.L_overlay_start_2:
0x43: {  	(tag) =	ssettag $0x2  }
0x44: {  	s0 =	rddreg [dreg:$0x0];
	s2 =	stileid.u32  }
0x45: {  	s1 =	rddreg [dreg:$0x1];
	p0 =	sne.s32 s2, $0x0  }
0x46: {  	s3 =	rddreg [dreg:$0x2];
	[bflag:$0x3] =	sbarrier.arrive $0xFFFF;
	s2 =	simm.s32 @!p0 $0x1C01  }
0x47: {  	[timem:s3], [sflag:s2] =	dma.local @!p0 [hbm:s0], s1  }
0x48: {  	s0 =	simm.s32 @!p0 $0x1  }
0x49: {  	_ =	swait.ge @!p0 [sflag:s0], s1  }
0x4a: {  	s1 =	ssub.s32 @!p0 $0x0, s1;
	[sflag:s0] =	ssyncset.done @!p0 $0x0  }
0x4b: {  	[sflag:s0] =	ssyncadd.s32 @!p0 s1  }
0x4c: {  	[bflag:$0x3] =	sbarrier.arrive $0xFFFF  }
0x4d: {  	_ =	shalt  }

</sc_bundles>
